<compile_context>
chip_gen: v7x
topology: tpu7x:2x2x1
jax: 0.10.2.dev20260603
libtpu: 0.0.44.dev20260713+nightly
codegen_flags: <defaults>
</compile_context>

<pallas_src>
import functools

import jax
import jax.numpy as jnp
import numpy as np
from jax import lax
from jax.experimental import pallas as pl
from jax.experimental.pallas import tpu as pltpu
from jax.experimental.pallas import tpu_sc as plsc

D_MODEL = 512
N_HEADS = 8
HEAD_DIM = D_MODEL // N_HEADS
K_NB = 16
NEG_BIG = 3.0e38
IDX_BIG = 2 ** 30



def _pack_bf16_pair(y):
    h = y.shape[1] // 2
    lo = lax.bitcast_convert_type(y[:, :h].astype(jnp.bfloat16).astype(
        jnp.float32), jnp.int32)
    hi = lax.bitcast_convert_type(y[:, h:].astype(jnp.bfloat16).astype(
        jnp.float32), jnp.int32)
    return lax.shift_right_logical(lo, 16) | (hi & jnp.int32(-65536))


def _unpack_bf16_pair(w):
    lo = lax.bitcast_convert_type(lax.shift_left(w, 16), jnp.float32)
    hi = lax.bitcast_convert_type(w & jnp.int32(-65536), jnp.float32)
    return jnp.concatenate([lo, hi], axis=-1)


def _qkv_body(x_ref, wq_ref, bq_ref, wk_ref, bk_ref, wv_ref, bv_ref,
              q_ref, kv_ref):
    x = x_ref[...]
    dot = lambda a, b: lax.dot_general(
        a, b, (((1,), (0,)), ((), ())), preferred_element_type=jnp.float32)
    q_ref[...] = dot(x, wq_ref[...]) + bq_ref[...]
    kp = _pack_bf16_pair(dot(x, wk_ref[...]) + bk_ref[...])
    vp = _pack_bf16_pair(dot(x, wv_ref[...]) + bv_ref[...])
    kv_ref[...] = jnp.concatenate([kp, vp], axis=1)


def _qkv(xf, Wq, bq, Wk, bk, Wv, bv):
    m = xf.shape[0]
    blk = 512
    grid = (m // blk,)
    row_spec = pl.BlockSpec((blk, D_MODEL), lambda i: (i, 0))
    full_spec = pl.BlockSpec((D_MODEL, D_MODEL), lambda i: (0, 0))
    bias_spec = pl.BlockSpec((1, D_MODEL), lambda i: (0, 0))
    out_f = jax.ShapeDtypeStruct((m, D_MODEL), jnp.float32)
    out_p = jax.ShapeDtypeStruct((m, D_MODEL), jnp.int32)
    return pl.pallas_call(
        _qkv_body,
        grid=grid,
        in_specs=[row_spec, full_spec, bias_spec, full_spec, bias_spec,
                  full_spec, bias_spec],
        out_specs=[row_spec, row_spec],
        out_shape=[out_f, out_p],
    )(xf, Wq, bq.reshape(1, -1), Wk, bk.reshape(1, -1), Wv, bv.reshape(1, -1))




def _knn_body(cp_ref, cpt_ref, idx_ref, *, rows, n):
    b = pl.program_id(0)
    cb = cp_ref[0]
    cft = cpt_ref[0]
    g = lax.dot_general(cb, cft, (((1,), (0,)), ((), ())),
                        preferred_element_type=jnp.float32)
    sqb = jnp.sum(cb * cb, axis=1, keepdims=True)
    sqf = jnp.sum(cft * cft, axis=0, keepdims=True)
    d2 = sqb + sqf - 2.0 * g
    bits = lax.bitcast_convert_type(jnp.maximum(d2, 0.0), jnp.int32)
    iota = lax.broadcasted_iota(jnp.int32, (rows, n), 1)
    pk = (bits & jnp.int32(-4096)) | iota
    cols = []
    for _ in range(K_NB - 2):
        m = jnp.min(pk, axis=1, keepdims=True)
        cols.append(m & jnp.int32(4095))
        pk = jnp.where(pk == m, IDX_BIG, pk)
    d2m = jnp.where(pk == IDX_BIG, NEG_BIG, d2)
    for _ in range(2):
        m16 = jnp.min(d2m, axis=1, keepdims=True)
        cand = jnp.where(d2m == m16, iota, IDX_BIG)
        amin = jnp.min(cand, axis=1, keepdims=True)
        cols.append(amin)
        d2m = jnp.where(iota == amin, NEG_BIG, d2m)
    idx_ref[...] = jnp.concatenate(cols, axis=1) + b * n


def _knn(coordinate):
    B, n, _ = coordinate.shape
    rows = 256
    cpad = jnp.zeros((B, n, 128), jnp.float32).at[:, :, :3].set(coordinate)
    cpadT = cpad.transpose(0, 2, 1)
    grid = (B, n // rows)
    return pl.pallas_call(
        functools.partial(_knn_body, rows=rows, n=n),
        grid=grid,
        in_specs=[
            pl.BlockSpec((1, rows, 128), lambda b, i: (b, i, 0)),
            pl.BlockSpec((1, 128, n), lambda b, i: (b, 0, 0)),
        ],
        out_specs=pl.BlockSpec((rows, K_NB), lambda b, i: (b * (n // rows) + i, 0)),
        out_shape=jax.ShapeDtypeStruct((B * n, K_NB), jnp.int32),
    )(cpad, cpadT)



_NC = 2
_NS = 16
_NW = _NC * _NS


def _gather_sc(kv, gidx):
    total = gidx.shape[0]
    d = kv.shape[1]
    b_per_w = total // _NW
    ch = 64
    n_pair = b_per_w // (2 * ch)
    mesh = plsc.VectorSubcoreMesh(core_axis_name="c", subcore_axis_name="s")

    @functools.partial(
        pl.kernel,
        mesh=mesh,
        out_type=jax.ShapeDtypeStruct((total, d), jnp.int32),
        scratch_types=[
            pltpu.VMEM((b_per_w,), jnp.int32),
            pltpu.VMEM((ch, d), jnp.int32),
            pltpu.VMEM((ch, d), jnp.int32),
            pltpu.SemaphoreType.DMA,
            pltpu.SemaphoreType.DMA,
            pltpu.SemaphoreType.DMA,
            pltpu.SemaphoreType.DMA,
        ],
    )
    def gather_kernel(kv_hbm, idx_hbm, out_hbm, idx_v, b0, b1,
                      sg0, sg1, ss0, ss1):
        wid = lax.axis_index("s") * _NC + lax.axis_index("c")
        base = wid * b_per_w
        pltpu.sync_copy(idx_hbm.at[pl.ds(base, b_per_w)], idx_v)

        def gath(c, buf, sem):
            pltpu.async_copy(kv_hbm.at[idx_v.at[pl.ds(c * ch, ch)]], buf, sem)

        def scat(c, buf, sem):
            pltpu.async_copy(buf, out_hbm.at[pl.ds(base + c * ch, ch)], sem)

        def drain(sem, buf):
            pltpu.make_async_copy(kv_hbm.at[pl.ds(0, ch)], buf, sem).wait()

        gath(0, b0, sg0)

        def body(i, carry):
            c0 = 2 * i
            c1 = c0 + 1
            drain(sg0, b0)

            @pl.when(i > 0)
            def _():
                drain(ss1, b1)

            gath(c1, b1, sg1)
            scat(c0, b0, ss0)
            drain(sg1, b1)
            drain(ss0, b0)

            @pl.when(i < n_pair - 1)
            def _():
                gath(c0 + 2, b0, sg0)

            scat(c1, b1, ss1)
            return carry

        lax.fori_loop(0, n_pair, body, 0)
        drain(ss1, b1)

    return gather_kernel(kv, gidx)




def _attn_body(q_ref, kv_ref, m1_ref, m2_ref, wo_ref, bo_ref, out_ref,
               *, rows):
    scale = jnp.float32(HEAD_DIM ** -0.5)
    kvw = kv_ref[...]
    kn = _unpack_bf16_pair(kvw[:, :, :D_MODEL // 2])
    vn = _unpack_bf16_pair(kvw[:, :, D_MODEL // 2:])
    q3 = jnp.broadcast_to(q_ref[...][:, None, :], (rows, K_NB, D_MODEL))
    p = (q3 * kn).reshape(rows * K_NB, D_MODEL)
    dot = lambda a, b: lax.dot_general(
        a, b, (((1,), (0,)), ((), ())), preferred_element_type=jnp.float32)
    s = (dot(p, m1_ref[...]) * scale).reshape(rows, K_NB, 128)
    mx = s[:, 0, :]
    for j in range(1, K_NB):
        mx = jnp.maximum(mx, s[:, j, :])
    e = jnp.exp(s - mx[:, None, :])
    den = e[:, 0, :]
    for j in range(1, K_NB):
        den = den + e[:, j, :]
    w = (e / den[:, None, :]).reshape(rows * K_NB, 128)
    wexp = dot(w, m2_ref[...])
    o = (wexp * vn.reshape(rows * K_NB, D_MODEL)).reshape(
        rows, K_NB, D_MODEL)
    acc = o[:, 0, :]
    for j in range(1, K_NB):
        acc = acc + o[:, j, :]
    out_ref[...] = dot(acc, wo_ref[...]) + bo_ref[...]


def _attention(q, kvn, Wo, bo):
    m = q.shape[0]
    rows = 128
    grid = (m // rows,)
    kv3 = kvn.reshape(m, K_NB, D_MODEL)
    m1 = np.zeros((D_MODEL, 128), np.float32)
    for h in range(N_HEADS):
        m1[h * HEAD_DIM:(h + 1) * HEAD_DIM, h] = 1.0
    m2 = np.zeros((128, D_MODEL), np.float32)
    for h in range(N_HEADS):
        m2[h, h * HEAD_DIM:(h + 1) * HEAD_DIM] = 1.0
    return pl.pallas_call(
        functools.partial(_attn_body, rows=rows),
        grid=grid,
        in_specs=[
            pl.BlockSpec((rows, D_MODEL), lambda i: (i, 0)),
            pl.BlockSpec((rows, K_NB, D_MODEL), lambda i: (i, 0, 0)),
            pl.BlockSpec((D_MODEL, 128), lambda i: (0, 0)),
            pl.BlockSpec((128, D_MODEL), lambda i: (0, 0)),
            pl.BlockSpec((D_MODEL, D_MODEL), lambda i: (0, 0)),
            pl.BlockSpec((1, D_MODEL), lambda i: (0, 0)),
        ],
        out_specs=pl.BlockSpec((rows, D_MODEL), lambda i: (i, 0)),
        out_shape=jax.ShapeDtypeStruct((m, D_MODEL), jnp.float32),
    )(q, kv3, jnp.asarray(m1), jnp.asarray(m2), Wo, bo.reshape(1, -1))




def kernel(x, coordinate, Wq, bq, Wk, bk, Wv, bv, Wo, bo):
    B, N, C = x.shape
    xf = x.reshape(B * N, C)
    q, kv = _qkv(xf, Wq, bq, Wk, bk, Wv, bv)
    knn_idx = _knn(coordinate)
    kvn = _gather_sc(kv, knn_idx.reshape(-1))
    out = _attention(q, kvn, Wo, bo)
    return out.reshape(B, N, C)

# --- scband reference (transcript-rebuilt; emitter-appended) ---
"""Pipeline reference for scband-local-attention-61778809585664 (READ-ONLY COPY).

The authoritative reference and input builder live on the scoring server;
editing this copy changes nothing except your own understanding.
"""

import jax, jax.numpy as jnp
import numpy as np

D_MODEL = 512
N_HEADS = 8
K_NEIGHBORS = 16


def setup_inputs(seed: int = 0) -> dict:
    key = jax.random.key(seed)
    ks = jax.random.split(key, 12)
    B, N, d = 4, 4096, D_MODEL
    x = jax.random.normal(ks[0], (B, N, d), dtype=jnp.float32)
    coordinate = jax.random.uniform(ks[1], (B, N, 3), dtype=jnp.float32)

    def lin(kw, kb):
        W = jax.random.normal(kw, (d, d), dtype=jnp.float32) * (1.0 / np.sqrt(d))
        b = jax.random.normal(kb, (d,), dtype=jnp.float32) * 0.01
        return W, b

    Wq, bq = lin(ks[2], ks[3])
    Wk, bk = lin(ks[4], ks[5])
    Wv, bv = lin(ks[6], ks[7])
    Wo, bo = lin(ks[8], ks[9])
    return {"x": x, "coordinate": coordinate, "Wq": Wq, "bq": bq, "Wk": Wk, "bk": bk, "Wv": Wv, "bv": bv, "Wo": Wo, "bo": bo}


def reference(x, coordinate, Wq, bq, Wk, bk, Wv, bv, Wo, bo):
    B, N, C = x.shape
    H = N_HEADS
    hd = C // H
    k = min(K_NEIGHBORS, N)
    scale = hd ** (-0.5)

    # kNN via squared euclidean distances (same ordering as cdist)
    sq = jnp.sum(coordinate * coordinate, axis=-1)
    d2 = sq[:, :, None] + sq[:, None, :] - 2.0 * jnp.einsum('bnc,bmc->bnm', coordinate, coordinate)
    d2 = jax.lax.stop_gradient(d2)
    _, knn_idx = jax.lax.top_k(-d2, k)  # (B, N, k) smallest distances

    q = x @ Wq + bq
    kf = x @ Wk + bk
    v = x @ Wv + bv

    gather = jax.vmap(lambda f, i: f[i])  # per-batch row gather
    kn = gather(kf, knn_idx)  # (B, N, k, C)
    vn = gather(v, knn_idx)   # (B, N, k, C)

    q = q.reshape(B, N, H, hd).transpose(0, 2, 1, 3)              # (B, H, N, hd)
    kn = kn.reshape(B, N, k, H, hd).transpose(0, 3, 1, 2, 4)      # (B, H, N, k, hd)
    vn = vn.reshape(B, N, k, H, hd).transpose(0, 3, 1, 2, 4)      # (B, H, N, k, hd)

    attn_score = jnp.einsum('bhnd,bhnkd->bhnk', q, kn) * scale
    attn_weight = jax.nn.softmax(attn_score, axis=-1)
    attn_output = jnp.einsum('bhnk,bhnkd->bhnd', attn_weight, vn)  # (B, H, N, hd)
    attn_output = attn_output.transpose(0, 2, 1, 3).reshape(B, N, C)
    return attn_output @ Wo + bo

if __name__ == "__main__":
    import jax
    _d = setup_inputs()
    print(jax.jit(kernel)(*tuple(_d.values())))

</pallas_src>

<mosaic_0001>
#map = affine_map<(d0, d1) -> (0, 0)>
#map1 = affine_map<(d0, d1) -> (0)>
module attributes {stable_mosaic.version = 14 : i64} {
  func.func @gather_kernel(%arg0: i32, %arg1: i32, %arg2: memref<16384x512xi32, #tpu.memory_space<hbm>>, %arg3: memref<262144xi32, #tpu.memory_space<hbm>>, %arg4: memref<262144x512xi32, #tpu.memory_space<hbm>>, %arg5: memref<8192xi32, #tpu.memory_space<vmem>>, %arg6: memref<64x512xi32, #tpu.memory_space<vmem>>, %arg7: memref<64x512xi32, #tpu.memory_space<vmem>>, %arg8: memref<!tpu.dma_semaphore, #tpu.memory_space<semaphore_mem>>, %arg9: memref<!tpu.dma_semaphore, #tpu.memory_space<semaphore_mem>>, %arg10: memref<!tpu.dma_semaphore, #tpu.memory_space<semaphore_mem>>, %arg11: memref<!tpu.dma_semaphore, #tpu.memory_space<semaphore_mem>>) attributes {dimension_semantics = [#tpu.dimension_semantics<core_parallel>, #tpu.dimension_semantics<subcore_parallel>], iteration_bounds = array<i64: 2, 16>, scalar_prefetch = 0 : i64, scratch_operands = 7 : i64, tpu.core_type = #tpu.core_type<sc_vector_subcore>, window_params = [{transform_indices = #map}, {transform_indices = #map1}, {transform_indices = #map}]} {
    %mul3A = arith.constant 2 : i32
    %mul3A_0 = arith.muli %arg1, %mul3A : i32
    %add3A = arith.addi %mul3A_0, %arg0 : i32
    %mul3A_1 = arith.constant 8192 : i32
    %mul3A_2 = arith.muli %add3A, %mul3A_1 : i32
    "tpu.region"() ({
      %run_scoped3A = tpu.sem_alloc : memref<!tpu.dma_semaphore, #tpu.memory_space<semaphore_mem>>
      %dma_start3A_17 = tpu.memref_slice %arg3[%mul3A_2] : memref<262144xi32, #tpu.memory_space<hbm>> -> memref<8192xi32, #tpu.memory_space<hbm>>
      %dma_start3A_18 = tpu.memref_slice %arg3[%mul3A_2] : memref<262144xi32, #tpu.memory_space<hbm>> -> memref<8192xi32, #tpu.memory_space<hbm>>
      tpu.enqueue_dma source(%dma_start3A_18 : memref<8192xi32, #tpu.memory_space<hbm>>) target(%arg5 : memref<8192xi32, #tpu.memory_space<vmem>>) target_semaphore(%run_scoped3A : memref<!tpu.dma_semaphore, #tpu.memory_space<semaphore_mem>>)
      %dma_wait3A_19 = tpu.memref_slice %arg3[%mul3A_2] : memref<262144xi32, #tpu.memory_space<hbm>> -> memref<8192xi32, #tpu.memory_space<hbm>>
      %dma_wait3A_20 = tpu.memref_slice %arg3[%mul3A_2] : memref<262144xi32, #tpu.memory_space<hbm>> -> memref<8192xi32, #tpu.memory_space<hbm>>
      tpu.wait_dma2 semaphore(%run_scoped3A : memref<!tpu.dma_semaphore, #tpu.memory_space<semaphore_mem>>) src(%dma_wait3A_20 : memref<8192xi32, #tpu.memory_space<hbm>>) dst(%arg5 : memref<8192xi32, #tpu.memory_space<vmem>>)
      tpu.yield
    }) : () -> ()
    %dma_start3A = arith.constant 0 : i32
    %dma_start3A_3 = tpu.memref_slice %arg5[%dma_start3A] : memref<8192xi32, #tpu.memory_space<vmem>> -> memref<64xi32, #tpu.memory_space<vmem>>
    %dma_start3A_4 = arith.constant 0 : i32
    %dma_start3A_5 = arith.constant 0 : i32
    %dma_start3A_6 = tpu.memref_slice %arg2[%dma_start3A_4, %dma_start3A_5] : memref<16384x512xi32, #tpu.memory_space<hbm>> -> memref<16384x512xi32, #tpu.memory_space<hbm>>
    tpu.enqueue_indirect_dma source(%dma_start3A_6 : memref<16384x512xi32, #tpu.memory_space<hbm>>) target(%arg6 : memref<64x512xi32, #tpu.memory_space<vmem>>) offsets(%dma_start3A_3 : memref<64xi32, #tpu.memory_space<vmem>>) semaphore(%arg8 : memref<!tpu.dma_semaphore, #tpu.memory_space<semaphore_mem>>)
    %scan3A = arith.constant 0 : i32
    %scan3A_7 = arith.constant 0 : i32
    %scan3A_8 = arith.constant 64 : i32
    %scan3A_9 = arith.addi %scan3A_7, %scan3A_8 : i32
    %scan3A_10 = arith.constant 1 : i32
    scf.for %scan3A_17 = %scan3A_7 to %scan3A_9 step %scan3A_10  : i32 {
      %mul3A_18 = arith.constant 2 : i32
      %mul3A_19 = arith.muli %mul3A_18, %scan3A_17 : i32
      %add3A_20 = arith.constant 1 : i32
      %add3A_21 = arith.addi %mul3A_19, %add3A_20 : i32
      %dma_wait3A_22 = arith.constant 0 : i32
      %dma_wait3A_23 = arith.constant 0 : i32
      %dma_wait3A_24 = tpu.memref_slice %arg2[%dma_wait3A_22, %dma_wait3A_23] : memref<16384x512xi32, #tpu.memory_space<hbm>> -> memref<64x512xi32, #tpu.memory_space<hbm>>
      %dma_wait3A_25 = arith.constant 0 : i32
      %dma_wait3A_26 = arith.constant 0 : i32
      %dma_wait3A_27 = tpu.memref_slice %arg2[%dma_wait3A_25, %dma_wait3A_26] : memref<16384x512xi32, #tpu.memory_space<hbm>> -> memref<64x512xi32, #tpu.memory_space<hbm>>
      tpu.wait_dma2 semaphore(%arg8 : memref<!tpu.dma_semaphore, #tpu.memory_space<semaphore_mem>>) src(%dma_wait3A_27 : memref<64x512xi32, #tpu.memory_space<hbm>>) dst(%arg6 : memref<64x512xi32, #tpu.memory_space<vmem>>)
      %gt3A = arith.constant 0 : i32
      %gt3A_28 = arith.cmpi sgt, %scan3A_17, %gt3A : i32
      %convert_element_type3A = arith.extui %gt3A_28 : i1 to i32
      %cond3A = arith.constant 0 : i32
      %cond3A_29 = arith.cmpi ne, %convert_element_type3A, %cond3A : i32
      scf.if %cond3A_29 {
        %dma_wait3A_66 = arith.constant 0 : i32
        %dma_wait3A_67 = arith.constant 0 : i32
        %dma_wait3A_68 = tpu.memref_slice %arg2[%dma_wait3A_66, %dma_wait3A_67] : memref<16384x512xi32, #tpu.memory_space<hbm>> -> memref<64x512xi32, #tpu.memory_space<hbm>>
        %dma_wait3A_69 = arith.constant 0 : i32
        %dma_wait3A_70 = arith.constant 0 : i32
        %dma_wait3A_71 = tpu.memref_slice %arg2[%dma_wait3A_69, %dma_wait3A_70] : memref<16384x512xi32, #tpu.memory_space<hbm>> -> memref<64x512xi32, #tpu.memory_space<hbm>>
        tpu.wait_dma2 semaphore(%arg11 : memref<!tpu.dma_semaphore, #tpu.memory_space<semaphore_mem>>) src(%dma_wait3A_71 : memref<64x512xi32, #tpu.memory_space<hbm>>) dst(%arg7 : memref<64x512xi32, #tpu.memory_space<vmem>>)
      } else {
      }
      %mul3A_30 = arith.constant 64 : i32
      %mul3A_31 = arith.muli %add3A_21, %mul3A_30 : i32
      %dma_start3A_32 = tpu.memref_slice %arg5[%mul3A_31] : memref<8192xi32, #tpu.memory_space<vmem>> -> memref<64xi32, #tpu.memory_space<vmem>>
      %dma_start3A_33 = arith.constant 0 : i32
      %dma_start3A_34 = arith.constant 0 : i32
      %dma_start3A_35 = tpu.memref_slice %arg2[%dma_start3A_33, %dma_start3A_34] : memref<16384x512xi32, #tpu.memory_space<hbm>> -> memref<16384x512xi32, #tpu.memory_space<hbm>>
      tpu.enqueue_indirect_dma source(%dma_start3A_35 : memref<16384x512xi32, #tpu.memory_space<hbm>>) target(%arg7 : memref<64x512xi32, #tpu.memory_space<vmem>>) offsets(%dma_start3A_32 : memref<64xi32, #tpu.memory_space<vmem>>) semaphore(%arg9 : memref<!tpu.dma_semaphore, #tpu.memory_space<semaphore_mem>>)
      %mul3A_36 = arith.constant 64 : i32
      %mul3A_37 = arith.muli %mul3A_19, %mul3A_36 : i32
      %add3A_38 = arith.addi %mul3A_2, %mul3A_37 : i32
      %dma_start3A_39 = arith.constant 0 : i32
      %dma_start3A_40 = tpu.memref_slice %arg4[%add3A_38, %dma_start3A_39] : memref<262144x512xi32, #tpu.memory_space<hbm>> -> memref<64x512xi32, #tpu.memory_space<hbm>>
      %dma_start3A_41 = arith.constant 0 : i32
      %dma_start3A_42 = tpu.memref_slice %arg4[%add3A_38, %dma_start3A_41] : memref<262144x512xi32, #tpu.memory_space<hbm>> -> memref<64x512xi32, #tpu.memory_space<hbm>>
      tpu.enqueue_dma source(%arg6 : memref<64x512xi32, #tpu.memory_space<vmem>>) target(%dma_start3A_42 : memref<64x512xi32, #tpu.memory_space<hbm>>) target_semaphore(%arg10 : memref<!tpu.dma_semaphore, #tpu.memory_space<semaphore_mem>>)
      %dma_wait3A_43 = arith.constant 0 : i32
      %dma_wait3A_44 = arith.constant 0 : i32
      %dma_wait3A_45 = tpu.memref_slice %arg2[%dma_wait3A_43, %dma_wait3A_44] : memref<16384x512xi32, #tpu.memory_space<hbm>> -> memref<64x512xi32, #tpu.memory_space<hbm>>
      %dma_wait3A_46 = arith.constant 0 : i32
      %dma_wait3A_47 = arith.constant 0 : i32
      %dma_wait3A_48 = tpu.memref_slice %arg2[%dma_wait3A_46, %dma_wait3A_47] : memref<16384x512xi32, #tpu.memory_space<hbm>> -> memref<64x512xi32, #tpu.memory_space<hbm>>
      tpu.wait_dma2 semaphore(%arg9 : memref<!tpu.dma_semaphore, #tpu.memory_space<semaphore_mem>>) src(%dma_wait3A_48 : memref<64x512xi32, #tpu.memory_space<hbm>>) dst(%arg7 : memref<64x512xi32, #tpu.memory_space<vmem>>)
      %dma_wait3A_49 = arith.constant 0 : i32
      %dma_wait3A_50 = arith.constant 0 : i32
      %dma_wait3A_51 = tpu.memref_slice %arg2[%dma_wait3A_49, %dma_wait3A_50] : memref<16384x512xi32, #tpu.memory_space<hbm>> -> memref<64x512xi32, #tpu.memory_space<hbm>>
      %dma_wait3A_52 = arith.constant 0 : i32
      %dma_wait3A_53 = arith.constant 0 : i32
      %dma_wait3A_54 = tpu.memref_slice %arg2[%dma_wait3A_52, %dma_wait3A_53] : memref<16384x512xi32, #tpu.memory_space<hbm>> -> memref<64x512xi32, #tpu.memory_space<hbm>>
      tpu.wait_dma2 semaphore(%arg10 : memref<!tpu.dma_semaphore, #tpu.memory_space<semaphore_mem>>) src(%dma_wait3A_54 : memref<64x512xi32, #tpu.memory_space<hbm>>) dst(%arg6 : memref<64x512xi32, #tpu.memory_space<vmem>>)
      %lt3A = arith.constant 63 : i32
      %lt3A_55 = arith.cmpi slt, %scan3A_17, %lt3A : i32
      %convert_element_type3A_56 = arith.extui %lt3A_55 : i1 to i32
      %cond3A_57 = arith.constant 0 : i32
      %cond3A_58 = arith.cmpi ne, %convert_element_type3A_56, %cond3A_57 : i32
      scf.if %cond3A_58 {
        %add3A_66 = arith.constant 2 : i32
        %add3A_67 = arith.addi %mul3A_19, %add3A_66 : i32
        %mul3A_68 = arith.constant 64 : i32
        %mul3A_69 = arith.muli %add3A_67, %mul3A_68 : i32
        %dma_start3A_70 = tpu.memref_slice %arg5[%mul3A_69] : memref<8192xi32, #tpu.memory_space<vmem>> -> memref<64xi32, #tpu.memory_space<vmem>>
        %dma_start3A_71 = arith.constant 0 : i32
        %dma_start3A_72 = arith.constant 0 : i32
        %dma_start3A_73 = tpu.memref_slice %arg2[%dma_start3A_71, %dma_start3A_72] : memref<16384x512xi32, #tpu.memory_space<hbm>> -> memref<16384x512xi32, #tpu.memory_space<hbm>>
        tpu.enqueue_indirect_dma source(%dma_start3A_73 : memref<16384x512xi32, #tpu.memory_space<hbm>>) target(%arg6 : memref<64x512xi32, #tpu.memory_space<vmem>>) offsets(%dma_start3A_70 : memref<64xi32, #tpu.memory_space<vmem>>) semaphore(%arg8 : memref<!tpu.dma_semaphore, #tpu.memory_space<semaphore_mem>>)
      } else {
      }
      %mul3A_59 = arith.constant 64 : i32
      %mul3A_60 = arith.muli %add3A_21, %mul3A_59 : i32
      %add3A_61 = arith.addi %mul3A_2, %mul3A_60 : i32
      %dma_start3A_62 = arith.constant 0 : i32
      %dma_start3A_63 = tpu.memref_slice %arg4[%add3A_61, %dma_start3A_62] : memref<262144x512xi32, #tpu.memory_space<hbm>> -> memref<64x512xi32, #tpu.memory_space<hbm>>
      %dma_start3A_64 = arith.constant 0 : i32
      %dma_start3A_65 = tpu.memref_slice %arg4[%add3A_61, %dma_start3A_64] : memref<262144x512xi32, #tpu.memory_space<hbm>> -> memref<64x512xi32, #tpu.memory_space<hbm>>
      tpu.enqueue_dma source(%arg7 : memref<64x512xi32, #tpu.memory_space<vmem>>) target(%dma_start3A_65 : memref<64x512xi32, #tpu.memory_space<hbm>>) target_semaphore(%arg11 : memref<!tpu.dma_semaphore, #tpu.memory_space<semaphore_mem>>)
    }
    %scan3A_11 = arith.constant 64 : i32
    %dma_wait3A = arith.constant 0 : i32
    %dma_wait3A_12 = arith.constant 0 : i32
    %dma_wait3A_13 = tpu.memref_slice %arg2[%dma_wait3A, %dma_wait3A_12] : memref<16384x512xi32, #tpu.memory_space<hbm>> -> memref<64x512xi32, #tpu.memory_space<hbm>>
    %dma_wait3A_14 = arith.constant 0 : i32
    %dma_wait3A_15 = arith.constant 0 : i32
    %dma_wait3A_16 = tpu.memref_slice %arg2[%dma_wait3A_14, %dma_wait3A_15] : memref<16384x512xi32, #tpu.memory_space<hbm>> -> memref<64x512xi32, #tpu.memory_space<hbm>>
    tpu.wait_dma2 semaphore(%arg11 : memref<!tpu.dma_semaphore, #tpu.memory_space<semaphore_mem>>) src(%dma_wait3A_16 : memref<64x512xi32, #tpu.memory_space<hbm>>) dst(%arg7 : memref<64x512xi32, #tpu.memory_space<vmem>>)
    return
  }
}

module attributes {stable_mosaic.version = 14 : i64} {
  func.func @_knn_body(%arg0: i32, %arg1: i32, %arg2: memref<1x256x128xf32, #tpu.memory_space<vmem>>, %arg3: memref<1x128x4096xf32, #tpu.memory_space<vmem>>, %arg4: memref<256x16xi32, #tpu.memory_space<vmem>>) attributes {dimension_semantics = [#tpu.dimension_semantics<arbitrary>, #tpu.dimension_semantics<arbitrary>], iteration_bounds = array<i64: 4, 16>, scalar_prefetch = 0 : i64, scratch_operands = 0 : i64, tpu.core_type = #tpu.core_type<tc>, window_params = [{transform_indices = @transform_0, window_bounds = array<i64: 1, 256, 128>}, {transform_indices = @transform_1, window_bounds = array<i64: 1, 128, 4096>}, {transform_indices = @transform_2, window_bounds = array<i64: 256, 16>}]} {
    %get3A = arith.constant 0 : index
    %get3A_0 = arith.constant 0 : index
    %get3A_1 = arith.constant 0 : index
    %get3A_2 = vector.load %arg2[%get3A, %get3A_0, %get3A_1] : memref<1x256x128xf32, #tpu.memory_space<vmem>>, vector<1x256x128xf32>
    %get3A_3 = vector.shape_cast %get3A_2 : vector<1x256x128xf32> to vector<256x128xf32>
    %get3A_4 = arith.constant 0 : index
    %get3A_5 = arith.constant 0 : index
    %get3A_6 = arith.constant 0 : index
    %get3A_7 = vector.load %arg3[%get3A_4, %get3A_5, %get3A_6] : memref<1x128x4096xf32, #tpu.memory_space<vmem>>, vector<1x128x4096xf32>
    %get3A_8 = vector.shape_cast %get3A_7 : vector<1x128x4096xf32> to vector<128x4096xf32>
    %dot_general3A = arith.constant dense<0.000000e+00> : vector<256x4096xf32>
    %dot_general3A_9 = tpu.matmul %get3A_3, %get3A_8, %dot_general3A {dimension_numbers = #tpu.dot_dimension_numbers<[1], [0], [0], [1], [0, 0, 1, 1], [], []>, transpose_lhs_hint = false} : vector<256x128xf32>, vector<128x4096xf32>, vector<256x4096xf32> -> vector<256x4096xf32>
    %mul3A = arith.mulf %get3A_3, %get3A_3 : vector<256x128xf32>
    %reduce_sum3A = arith.constant dense<0.000000e+00> : vector<256xf32>
    %reduce_sum3A_10 = vector.multi_reduction <add>, %mul3A, %reduce_sum3A [1] : vector<256x128xf32> to vector<256xf32>
    %broadcast_in_dim3A = vector.shape_cast %reduce_sum3A_10 : vector<256xf32> to vector<256x1xf32>
    %mul3A_11 = arith.mulf %get3A_8, %get3A_8 : vector<128x4096xf32>
    %reduce_sum3A_12 = arith.constant dense<0.000000e+00> : vector<4096xf32>
    %reduce_sum3A_13 = vector.multi_reduction <add>, %mul3A_11, %reduce_sum3A_12 [0] : vector<128x4096xf32> to vector<4096xf32>
    %broadcast_in_dim3A_14 = vector.shape_cast %reduce_sum3A_13 : vector<4096xf32> to vector<1x4096xf32>
    %add3A = vector.broadcast %broadcast_in_dim3A : vector<256x1xf32> to vector<256x4096xf32>
    %add3A_15 = vector.broadcast %broadcast_in_dim3A_14 : vector<1x4096xf32> to vector<256x4096xf32>
    %add3A_16 = arith.addf %add3A, %add3A_15 : vector<256x4096xf32>
    %mul3A_17 = arith.constant 2.000000e+00 : f32
    %mul3A_18 = vector.broadcast %mul3A_17 : f32 to vector<256x4096xf32>
    %mul3A_19 = arith.mulf %mul3A_18, %dot_general3A_9 : vector<256x4096xf32>
    %sub3A = arith.subf %add3A_16, %mul3A_19 : vector<256x4096xf32>
    %max3A = arith.constant 0.000000e+00 : f32
    %max3A_20 = vector.broadcast %max3A : f32 to vector<256x4096xf32>
    %max3A_21 = arith.maximumf %sub3A, %max3A_20 : vector<256x4096xf32>
    %bitcast_convert_type3A = tpu.bitcast %max3A_21 : vector<256x4096xf32> -> vector<256x4096xi32>
    %iota3A = tpu.iota {dimensions = array<i32: 1>} : vector<256x4096xi32>
    %and3A = arith.constant -4096 : i32
    %and3A_22 = vector.broadcast %and3A : i32 to vector<256x4096xi32>
    %and3A_23 = arith.andi %bitcast_convert_type3A, %and3A_22 : vector<256x4096xi32>
    %or3A = arith.ori %and3A_23, %iota3A : vector<256x4096xi32>
    %reduce_min3A = arith.constant dense<2147483647> : vector<256xi32>
    %reduce_min3A_24 = vector.multi_reduction <minsi>, %or3A, %reduce_min3A [1] : vector<256x4096xi32> to vector<256xi32>
    %broadcast_in_dim3A_25 = vector.shape_cast %reduce_min3A_24 : vector<256xi32> to vector<256x1xi32>
    %and3A_26 = arith.constant 4095 : i32
    %and3A_27 = vector.broadcast %and3A_26 : i32 to vector<256x1xi32>
    %and3A_28 = arith.andi %broadcast_in_dim3A_25, %and3A_27 : vector<256x1xi32>
    %eq3A = vector.broadcast %broadcast_in_dim3A_25 : vector<256x1xi32> to vector<256x4096xi32>
    %eq3A_29 = arith.cmpi eq, %or3A, %eq3A : vector<256x4096xi32>
    %jit3A = arith.constant 1073741824 : i32
    %broadcast_in_dim3A_30 = vector.broadcast %jit3A : i32 to vector<256x4096xi32>
    %select_n3A = arith.select %eq3A_29, %broadcast_in_dim3A_30, %or3A : vector<256x4096xi1>, vector<256x4096xi32>
    %reduce_min3A_31 = arith.constant dense<2147483647> : vector<256xi32>
    %reduce_min3A_32 = vector.multi_reduction <minsi>, %select_n3A, %reduce_min3A_31 [1] : vector<256x4096xi32> to vector<256xi32>
    %broadcast_in_dim3A_33 = vector.shape_cast %reduce_min3A_32 : vector<256xi32> to vector<256x1xi32>
    %and3A_34 = arith.constant 4095 : i32
    %and3A_35 = vector.broadcast %and3A_34 : i32 to vector<256x1xi32>
    %and3A_36 = arith.andi %broadcast_in_dim3A_33, %and3A_35 : vector<256x1xi32>
    %eq3A_37 = vector.broadcast %broadcast_in_dim3A_33 : vector<256x1xi32> to vector<256x4096xi32>
    %eq3A_38 = arith.cmpi eq, %select_n3A, %eq3A_37 : vector<256x4096xi32>
    %jit3A_39 = arith.constant 1073741824 : i32
    %broadcast_in_dim3A_40 = vector.broadcast %jit3A_39 : i32 to vector<256x4096xi32>
    %select_n3A_41 = arith.select %eq3A_38, %broadcast_in_dim3A_40, %select_n3A : vector<256x4096xi1>, vector<256x4096xi32>
    %reduce_min3A_42 = arith.constant dense<2147483647> : vector<256xi32>
    %reduce_min3A_43 = vector.multi_reduction <minsi>, %select_n3A_41, %reduce_min3A_42 [1] : vector<256x4096xi32> to vector<256xi32>
    %broadcast_in_dim3A_44 = vector.shape_cast %reduce_min3A_43 : vector<256xi32> to vector<256x1xi32>
    %and3A_45 = arith.constant 4095 : i32
    %and3A_46 = vector.broadcast %and3A_45 : i32 to vector<256x1xi32>
    %and3A_47 = arith.andi %broadcast_in_dim3A_44, %and3A_46 : vector<256x1xi32>
    %eq3A_48 = vector.broadcast %broadcast_in_dim3A_44 : vector<256x1xi32> to vector<256x4096xi32>
    %eq3A_49 = arith.cmpi eq, %select_n3A_41, %eq3A_48 : vector<256x4096xi32>
    %jit3A_50 = arith.constant 1073741824 : i32
    %broadcast_in_dim3A_51 = vector.broadcast %jit3A_50 : i32 to vector<256x4096xi32>
    %select_n3A_52 = arith.select %eq3A_49, %broadcast_in_dim3A_51, %select_n3A_41 : vector<256x4096xi1>, vector<256x4096xi32>
    %reduce_min3A_53 = arith.constant dense<2147483647> : vector<256xi32>
    %reduce_min3A_54 = vector.multi_reduction <minsi>, %select_n3A_52, %reduce_min3A_53 [1] : vector<256x4096xi32> to vector<256xi32>
    %broadcast_in_dim3A_55 = vector.shape_cast %reduce_min3A_54 : vector<256xi32> to vector<256x1xi32>
    %and3A_56 = arith.constant 4095 : i32
    %and3A_57 = vector.broadcast %and3A_56 : i32 to vector<256x1xi32>
    %and3A_58 = arith.andi %broadcast_in_dim3A_55, %and3A_57 : vector<256x1xi32>
    %eq3A_59 = vector.broadcast %broadcast_in_dim3A_55 : vector<256x1xi32> to vector<256x4096xi32>
    %eq3A_60 = arith.cmpi eq, %select_n3A_52, %eq3A_59 : vector<256x4096xi32>
    %jit3A_61 = arith.constant 1073741824 : i32
    %broadcast_in_dim3A_62 = vector.broadcast %jit3A_61 : i32 to vector<256x4096xi32>
    %select_n3A_63 = arith.select %eq3A_60, %broadcast_in_dim3A_62, %select_n3A_52 : vector<256x4096xi1>, vector<256x4096xi32>
    %reduce_min3A_64 = arith.constant dense<2147483647> : vector<256xi32>
    %reduce_min3A_65 = vector.multi_reduction <minsi>, %select_n3A_63, %reduce_min3A_64 [1] : vector<256x4096xi32> to vector<256xi32>
    %broadcast_in_dim3A_66 = vector.shape_cast %reduce_min3A_65 : vector<256xi32> to vector<256x1xi32>
    %and3A_67 = arith.constant 4095 : i32
    %and3A_68 = vector.broadcast %and3A_67 : i32 to vector<256x1xi32>
    %and3A_69 = arith.andi %broadcast_in_dim3A_66, %and3A_68 : vector<256x1xi32>
    %eq3A_70 = vector.broadcast %broadcast_in_dim3A_66 : vector<256x1xi32> to vector<256x4096xi32>
    %eq3A_71 = arith.cmpi eq, %select_n3A_63, %eq3A_70 : vector<256x4096xi32>
    %jit3A_72 = arith.constant 1073741824 : i32
    %broadcast_in_dim3A_73 = vector.broadcast %jit3A_72 : i32 to vector<256x4096xi32>
    %select_n3A_74 = arith.select %eq3A_71, %broadcast_in_dim3A_73, %select_n3A_63 : vector<256x4096xi1>, vector<256x4096xi32>
    %reduce_min3A_75 = arith.constant dense<2147483647> : vector<256xi32>
    %reduce_min3A_76 = vector.multi_reduction <minsi>, %select_n3A_74, %reduce_min3A_75 [1] : vector<256x4096xi32> to vector<256xi32>
    %broadcast_in_dim3A_77 = vector.shape_cast %reduce_min3A_76 : vector<256xi32> to vector<256x1xi32>
    %and3A_78 = arith.constant 4095 : i32
    %and3A_79 = vector.broadcast %and3A_78 : i32 to vector<256x1xi32>
    %and3A_80 = arith.andi %broadcast_in_dim3A_77, %and3A_79 : vector<256x1xi32>
    %eq3A_81 = vector.broadcast %broadcast_in_dim3A_77 : vector<256x1xi32> to vector<256x4096xi32>
    %eq3A_82 = arith.cmpi eq, %select_n3A_74, %eq3A_81 : vector<256x4096xi32>
    %jit3A_83 = arith.constant 1073741824 : i32
    %broadcast_in_dim3A_84 = vector.broadcast %jit3A_83 : i32 to vector<256x4096xi32>
    %select_n3A_85 = arith.select %eq3A_82, %broadcast_in_dim3A_84, %select_n3A_74 : vector<256x4096xi1>, vector<256x4096xi32>
    %reduce_min3A_86 = arith.constant dense<2147483647> : vector<256xi32>
    %reduce_min3A_87 = vector.multi_reduction <minsi>, %select_n3A_85, %reduce_min3A_86 [1] : vector<256x4096xi32> to vector<256xi32>
    %broadcast_in_dim3A_88 = vector.shape_cast %reduce_min3A_87 : vector<256xi32> to vector<256x1xi32>
    %and3A_89 = arith.constant 4095 : i32
    %and3A_90 = vector.broadcast %and3A_89 : i32 to vector<256x1xi32>
    %and3A_91 = arith.andi %broadcast_in_dim3A_88, %and3A_90 : vector<256x1xi32>
    %eq3A_92 = vector.broadcast %broadcast_in_dim3A_88 : vector<256x1xi32> to vector<256x4096xi32>
    %eq3A_93 = arith.cmpi eq, %select_n3A_85, %eq3A_92 : vector<256x4096xi32>
    %jit3A_94 = arith.constant 1073741824 : i32
    %broadcast_in_dim3A_95 = vector.broadcast %jit3A_94 : i32 to vector<256x4096xi32>
    %select_n3A_96 = arith.select %eq3A_93, %broadcast_in_dim3A_95, %select_n3A_85 : vector<256x4096xi1>, vector<256x4096xi32>
    %reduce_min3A_97 = arith.constant dense<2147483647> : vector<256xi32>
    %reduce_min3A_98 = vector.multi_reduction <minsi>, %select_n3A_96, %reduce_min3A_97 [1] : vector<256x4096xi32> to vector<256xi32>
    %broadcast_in_dim3A_99 = vector.shape_cast %reduce_min3A_98 : vector<256xi32> to vector<256x1xi32>
    %and3A_100 = arith.constant 4095 : i32
    %and3A_101 = vector.broadcast %and3A_100 : i32 to vector<256x1xi32>
    %and3A_102 = arith.andi %broadcast_in_dim3A_99, %and3A_101 : vector<256x1xi32>
    %eq3A_103 = vector.broadcast %broadcast_in_dim3A_99 : vector<256x1xi32> to vector<256x4096xi32>
    %eq3A_104 = arith.cmpi eq, %select_n3A_96, %eq3A_103 : vector<256x4096xi32>
    %jit3A_105 = arith.constant 1073741824 : i32
    %broadcast_in_dim3A_106 = vector.broadcast %jit3A_105 : i32 to vector<256x4096xi32>
    %select_n3A_107 = arith.select %eq3A_104, %broadcast_in_dim3A_106, %select_n3A_96 : vector<256x4096xi1>, vector<256x4096xi32>
    %reduce_min3A_108 = arith.constant dense<2147483647> : vector<256xi32>
    %reduce_min3A_109 = vector.multi_reduction <minsi>, %select_n3A_107, %reduce_min3A_108 [1] : vector<256x4096xi32> to vector<256xi32>
    %broadcast_in_dim3A_110 = vector.shape_cast %reduce_min3A_109 : vector<256xi32> to vector<256x1xi32>
    %and3A_111 = arith.constant 4095 : i32
    %and3A_112 = vector.broadcast %and3A_111 : i32 to vector<256x1xi32>
    %and3A_113 = arith.andi %broadcast_in_dim3A_110, %and3A_112 : vector<256x1xi32>
    %eq3A_114 = vector.broadcast %broadcast_in_dim3A_110 : vector<256x1xi32> to vector<256x4096xi32>
    %eq3A_115 = arith.cmpi eq, %select_n3A_107, %eq3A_114 : vector<256x4096xi32>
    %jit3A_116 = arith.constant 1073741824 : i32
    %broadcast_in_dim3A_117 = vector.broadcast %jit3A_116 : i32 to vector<256x4096xi32>
    %select_n3A_118 = arith.select %eq3A_115, %broadcast_in_dim3A_117, %select_n3A_107 : vector<256x4096xi1>, vector<256x4096xi32>
    %reduce_min3A_119 = arith.constant dense<2147483647> : vector<256xi32>
    %reduce_min3A_120 = vector.multi_reduction <minsi>, %select_n3A_118, %reduce_min3A_119 [1] : vector<256x4096xi32> to vector<256xi32>
    %broadcast_in_dim3A_121 = vector.shape_cast %reduce_min3A_120 : vector<256xi32> to vector<256x1xi32>
    %and3A_122 = arith.constant 4095 : i32
    %and3A_123 = vector.broadcast %and3A_122 : i32 to vector<256x1xi32>
    %and3A_124 = arith.andi %broadcast_in_dim3A_121, %and3A_123 : vector<256x1xi32>
    %eq3A_125 = vector.broadcast %broadcast_in_dim3A_121 : vector<256x1xi32> to vector<256x4096xi32>
    %eq3A_126 = arith.cmpi eq, %select_n3A_118, %eq3A_125 : vector<256x4096xi32>
    %jit3A_127 = arith.constant 1073741824 : i32
    %broadcast_in_dim3A_128 = vector.broadcast %jit3A_127 : i32 to vector<256x4096xi32>
    %select_n3A_129 = arith.select %eq3A_126, %broadcast_in_dim3A_128, %select_n3A_118 : vector<256x4096xi1>, vector<256x4096xi32>
    %reduce_min3A_130 = arith.constant dense<2147483647> : vector<256xi32>
    %reduce_min3A_131 = vector.multi_reduction <minsi>, %select_n3A_129, %reduce_min3A_130 [1] : vector<256x4096xi32> to vector<256xi32>
    %broadcast_in_dim3A_132 = vector.shape_cast %reduce_min3A_131 : vector<256xi32> to vector<256x1xi32>
    %and3A_133 = arith.constant 4095 : i32
    %and3A_134 = vector.broadcast %and3A_133 : i32 to vector<256x1xi32>
    %and3A_135 = arith.andi %broadcast_in_dim3A_132, %and3A_134 : vector<256x1xi32>
    %eq3A_136 = vector.broadcast %broadcast_in_dim3A_132 : vector<256x1xi32> to vector<256x4096xi32>
    %eq3A_137 = arith.cmpi eq, %select_n3A_129, %eq3A_136 : vector<256x4096xi32>
    %jit3A_138 = arith.constant 1073741824 : i32
    %broadcast_in_dim3A_139 = vector.broadcast %jit3A_138 : i32 to vector<256x4096xi32>
    %select_n3A_140 = arith.select %eq3A_137, %broadcast_in_dim3A_139, %select_n3A_129 : vector<256x4096xi1>, vector<256x4096xi32>
    %reduce_min3A_141 = arith.constant dense<2147483647> : vector<256xi32>
    %reduce_min3A_142 = vector.multi_reduction <minsi>, %select_n3A_140, %reduce_min3A_141 [1] : vector<256x4096xi32> to vector<256xi32>
    %broadcast_in_dim3A_143 = vector.shape_cast %reduce_min3A_142 : vector<256xi32> to vector<256x1xi32>
    %and3A_144 = arith.constant 4095 : i32
    %and3A_145 = vector.broadcast %and3A_144 : i32 to vector<256x1xi32>
    %and3A_146 = arith.andi %broadcast_in_dim3A_143, %and3A_145 : vector<256x1xi32>
    %eq3A_147 = vector.broadcast %broadcast_in_dim3A_143 : vector<256x1xi32> to vector<256x4096xi32>
    %eq3A_148 = arith.cmpi eq, %select_n3A_140, %eq3A_147 : vector<256x4096xi32>
    %jit3A_149 = arith.constant 1073741824 : i32
    %broadcast_in_dim3A_150 = vector.broadcast %jit3A_149 : i32 to vector<256x4096xi32>
    %select_n3A_151 = arith.select %eq3A_148, %broadcast_in_dim3A_150, %select_n3A_140 : vector<256x4096xi1>, vector<256x4096xi32>
    %reduce_min3A_152 = arith.constant dense<2147483647> : vector<256xi32>
    %reduce_min3A_153 = vector.multi_reduction <minsi>, %select_n3A_151, %reduce_min3A_152 [1] : vector<256x4096xi32> to vector<256xi32>
    %broadcast_in_dim3A_154 = vector.shape_cast %reduce_min3A_153 : vector<256xi32> to vector<256x1xi32>
    %and3A_155 = arith.constant 4095 : i32
    %and3A_156 = vector.broadcast %and3A_155 : i32 to vector<256x1xi32>
    %and3A_157 = arith.andi %broadcast_in_dim3A_154, %and3A_156 : vector<256x1xi32>
    %eq3A_158 = vector.broadcast %broadcast_in_dim3A_154 : vector<256x1xi32> to vector<256x4096xi32>
    %eq3A_159 = arith.cmpi eq, %select_n3A_151, %eq3A_158 : vector<256x4096xi32>
    %jit3A_160 = arith.constant 1073741824 : i32
    %broadcast_in_dim3A_161 = vector.broadcast %jit3A_160 : i32 to vector<256x4096xi32>
    %select_n3A_162 = arith.select %eq3A_159, %broadcast_in_dim3A_161, %select_n3A_151 : vector<256x4096xi1>, vector<256x4096xi32>
    %reduce_min3A_163 = arith.constant dense<2147483647> : vector<256xi32>
    %reduce_min3A_164 = vector.multi_reduction <minsi>, %select_n3A_162, %reduce_min3A_163 [1] : vector<256x4096xi32> to vector<256xi32>
    %broadcast_in_dim3A_165 = vector.shape_cast %reduce_min3A_164 : vector<256xi32> to vector<256x1xi32>
    %and3A_166 = arith.constant 4095 : i32
    %and3A_167 = vector.broadcast %and3A_166 : i32 to vector<256x1xi32>
    %and3A_168 = arith.andi %broadcast_in_dim3A_165, %and3A_167 : vector<256x1xi32>
    %eq3A_169 = vector.broadcast %broadcast_in_dim3A_165 : vector<256x1xi32> to vector<256x4096xi32>
    %eq3A_170 = arith.cmpi eq, %select_n3A_162, %eq3A_169 : vector<256x4096xi32>
    %jit3A_171 = arith.constant 1073741824 : i32
    %broadcast_in_dim3A_172 = vector.broadcast %jit3A_171 : i32 to vector<256x4096xi32>
    %select_n3A_173 = arith.select %eq3A_170, %broadcast_in_dim3A_172, %select_n3A_162 : vector<256x4096xi1>, vector<256x4096xi32>
    %eq3A_174 = arith.constant 1073741824 : i32
    %eq3A_175 = vector.broadcast %eq3A_174 : i32 to vector<256x4096xi32>
    %eq3A_176 = arith.cmpi eq, %select_n3A_173, %eq3A_175 : vector<256x4096xi32>
    %jit3A_177 = arith.constant 3.000000e+38 : f32
    %broadcast_in_dim3A_178 = vector.broadcast %jit3A_177 : f32 to vector<256x4096xf32>
    %select_n3A_179 = arith.select %eq3A_176, %broadcast_in_dim3A_178, %sub3A : vector<256x4096xi1>, vector<256x4096xf32>
    %reduce_min3A_180 = arith.constant dense<0x7F800000> : vector<256xf32>
    %reduce_min3A_181 = vector.multi_reduction <minimumf>, %select_n3A_179, %reduce_min3A_180 [1] : vector<256x4096xf32> to vector<256xf32>
    %broadcast_in_dim3A_182 = vector.shape_cast %reduce_min3A_181 : vector<256xf32> to vector<256x1xf32>
    %eq3A_183 = vector.broadcast %broadcast_in_dim3A_182 : vector<256x1xf32> to vector<256x4096xf32>
    %eq3A_184 = arith.cmpf oeq, %select_n3A_179, %eq3A_183 : vector<256x4096xf32>
    %jit3A_185 = arith.constant 1073741824 : i32
    %broadcast_in_dim3A_186 = vector.broadcast %jit3A_185 : i32 to vector<256x4096xi32>
    %select_n3A_187 = arith.select %eq3A_184, %iota3A, %broadcast_in_dim3A_186 : vector<256x4096xi1>, vector<256x4096xi32>
    %reduce_min3A_188 = arith.constant dense<2147483647> : vector<256xi32>
    %reduce_min3A_189 = vector.multi_reduction <minsi>, %select_n3A_187, %reduce_min3A_188 [1] : vector<256x4096xi32> to vector<256xi32>
    %broadcast_in_dim3A_190 = vector.shape_cast %reduce_min3A_189 : vector<256xi32> to vector<256x1xi32>
    %eq3A_191 = vector.broadcast %broadcast_in_dim3A_190 : vector<256x1xi32> to vector<256x4096xi32>
    %eq3A_192 = arith.cmpi eq, %iota3A, %eq3A_191 : vector<256x4096xi32>
    %jit3A_193 = arith.constant 3.000000e+38 : f32
    %broadcast_in_dim3A_194 = vector.broadcast %jit3A_193 : f32 to vector<256x4096xf32>
    %select_n3A_195 = arith.select %eq3A_192, %broadcast_in_dim3A_194, %select_n3A_179 : vector<256x4096xi1>, vector<256x4096xf32>
    %reduce_min3A_196 = arith.constant dense<0x7F800000> : vector<256xf32>
    %reduce_min3A_197 = vector.multi_reduction <minimumf>, %select_n3A_195, %reduce_min3A_196 [1] : vector<256x4096xf32> to vector<256xf32>
    %broadcast_in_dim3A_198 = vector.shape_cast %reduce_min3A_197 : vector<256xf32> to vector<256x1xf32>
    %eq3A_199 = vector.broadcast %broadcast_in_dim3A_198 : vector<256x1xf32> to vector<256x4096xf32>
    %eq3A_200 = arith.cmpf oeq, %select_n3A_195, %eq3A_199 : vector<256x4096xf32>
    %jit3A_201 = arith.constant 1073741824 : i32
    %broadcast_in_dim3A_202 = vector.broadcast %jit3A_201 : i32 to vector<256x4096xi32>
    %select_n3A_203 = arith.select %eq3A_200, %iota3A, %broadcast_in_dim3A_202 : vector<256x4096xi1>, vector<256x4096xi32>
    %reduce_min3A_204 = arith.constant dense<2147483647> : vector<256xi32>
    %reduce_min3A_205 = vector.multi_reduction <minsi>, %select_n3A_203, %reduce_min3A_204 [1] : vector<256x4096xi32> to vector<256xi32>
    %broadcast_in_dim3A_206 = vector.shape_cast %reduce_min3A_205 : vector<256xi32> to vector<256x1xi32>
    %concatenate3A = tpu.concatenate %and3A_28, %and3A_36, %and3A_47, %and3A_58, %and3A_69, %and3A_80, %and3A_91, %and3A_102, %and3A_113, %and3A_124, %and3A_135, %and3A_146, %and3A_157, %and3A_168, %broadcast_in_dim3A_190, %broadcast_in_dim3A_206 in 1 : vector<256x1xi32>, vector<256x1xi32>, vector<256x1xi32>, vector<256x1xi32>, vector<256x1xi32>, vector<256x1xi32>, vector<256x1xi32>, vector<256x1xi32>, vector<256x1xi32>, vector<256x1xi32>, vector<256x1xi32>, vector<256x1xi32>, vector<256x1xi32>, vector<256x1xi32>, vector<256x1xi32>, vector<256x1xi32> -> vector<256x16xi32>
    %mul3A_207 = arith.constant 4096 : i32
    %mul3A_208 = arith.muli %arg0, %mul3A_207 : i32
    %add3A_209 = vector.broadcast %mul3A_208 : i32 to vector<256x16xi32>
    %add3A_210 = arith.addi %concatenate3A, %add3A_209 : vector<256x16xi32>
    %swap3A = arith.constant 0 : index
    %swap3A_211 = arith.constant 0 : index
    %swap3A_212 = vector.load %arg4[%swap3A, %swap3A_211] : memref<256x16xi32, #tpu.memory_space<vmem>>, vector<256x16xi32>
    tpu.vector_store %arg4[%swap3A, %swap3A_211], %add3A_210 {strides = array<i32>} : memref<256x16xi32, #tpu.memory_space<vmem>>, vector<256x16xi32>,
    return
  }
  func.func @transform_0(%arg0: i32, %arg1: i32) -> (i32, i32, i32) {
    %c0_i32 = arith.constant 0 : i32
    %c0_i32_0 = arith.constant 0 : i32
    return %arg0, %arg1, %c0_i32 : i32, i32, i32
  }
  func.func @transform_1(%arg0: i32, %arg1: i32) -> (i32, i32, i32) {
    %c0_i32 = arith.constant 0 : i32
    %c0_i32_0 = arith.constant 0 : i32
    %c0_i32_1 = arith.constant 0 : i32
    return %arg0, %c0_i32, %c0_i32_0 : i32, i32, i32
  }
  func.func @transform_2(%arg0: i32, %arg1: i32) -> (i32, i32) {
    %mul3A = arith.constant 16 : i32
    %mul3A_0 = arith.muli %arg0, %mul3A : i32
    %add3A = arith.addi %mul3A_0, %arg1 : i32
    %c0_i32 = arith.constant 0 : i32
    %c0_i32_1 = arith.constant 0 : i32
    return %add3A, %c0_i32 : i32, i32
  }
}

module attributes {stable_mosaic.version = 14 : i64} {
  func.func @_qkv_body(%arg0: i32, %arg1: memref<512x512xf32, #tpu.memory_space<vmem>>, %arg2: memref<512x512xf32, #tpu.memory_space<vmem>>, %arg3: memref<1x512xf32, #tpu.memory_space<vmem>>, %arg4: memref<512x512xf32, #tpu.memory_space<vmem>>, %arg5: memref<1x512xf32, #tpu.memory_space<vmem>>, %arg6: memref<512x512xf32, #tpu.memory_space<vmem>>, %arg7: memref<1x512xf32, #tpu.memory_space<vmem>>, %arg8: memref<512x512xf32, #tpu.memory_space<vmem>>, %arg9: memref<512x512xi32, #tpu.memory_space<vmem>>) attributes {dimension_semantics = [#tpu.dimension_semantics<arbitrary>], iteration_bounds = array<i64: 32>, scalar_prefetch = 0 : i64, scratch_operands = 0 : i64, tpu.core_type = #tpu.core_type<tc>, window_params = [{transform_indices = @transform_0, window_bounds = array<i64: 512, 512>}, {pipeline_mode = #tpu.pipeline_mode<synchronous>, transform_indices = @transform_1, window_bounds = array<i64: 512, 512>}, {pipeline_mode = #tpu.pipeline_mode<synchronous>, transform_indices = @transform_2, window_bounds = array<i64: 1, 512>}, {pipeline_mode = #tpu.pipeline_mode<synchronous>, transform_indices = @transform_3, window_bounds = array<i64: 512, 512>}, {pipeline_mode = #tpu.pipeline_mode<synchronous>, transform_indices = @transform_4, window_bounds = array<i64: 1, 512>}, {pipeline_mode = #tpu.pipeline_mode<synchronous>, transform_indices = @transform_5, window_bounds = array<i64: 512, 512>}, {pipeline_mode = #tpu.pipeline_mode<synchronous>, transform_indices = @transform_6, window_bounds = array<i64: 1, 512>}, {transform_indices = @transform_7, window_bounds = array<i64: 512, 512>}, {transform_indices = @transform_8, window_bounds = array<i64: 512, 512>}]} {
    %get3A = arith.constant 0 : index
    %get3A_0 = arith.constant 0 : index
    %get3A_1 = vector.load %arg1[%get3A, %get3A_0] : memref<512x512xf32, #tpu.memory_space<vmem>>, vector<512x512xf32>
    %get3A_2 = arith.constant 0 : index
    %get3A_3 = arith.constant 0 : index
    %get3A_4 = vector.load %arg2[%get3A_2, %get3A_3] : memref<512x512xf32, #tpu.memory_space<vmem>>, vector<512x512xf32>
    %dot_general3A = arith.constant dense<0.000000e+00> : vector<512x512xf32>
    %dot_general3A_5 = tpu.matmul %get3A_1, %get3A_4, %dot_general3A {dimension_numbers = #tpu.dot_dimension_numbers<[1], [0], [0], [1], [0, 0, 1, 1], [], []>, transpose_lhs_hint = false} : vector<512x512xf32>, vector<512x512xf32>, vector<512x512xf32> -> vector<512x512xf32>
    %get3A_6 = arith.constant 0 : index
    %get3A_7 = arith.constant 0 : index
    %get3A_8 = vector.load %arg3[%get3A_6, %get3A_7] : memref<1x512xf32, #tpu.memory_space<vmem>>, vector<1x512xf32>
    %add3A = vector.broadcast %get3A_8 : vector<1x512xf32> to vector<512x512xf32>
    %add3A_9 = arith.addf %dot_general3A_5, %add3A : vector<512x512xf32>
    %swap3A = arith.constant 0 : index
    %swap3A_10 = arith.constant 0 : index
    %swap3A_11 = vector.load %arg8[%swap3A, %swap3A_10] : memref<512x512xf32, #tpu.memory_space<vmem>>, vector<512x512xf32>
    tpu.vector_store %arg8[%swap3A, %swap3A_10], %add3A_9 {strides = array<i32>} : memref<512x512xf32, #tpu.memory_space<vmem>>, vector<512x512xf32>,
    %get3A_12 = arith.constant 0 : index
    %get3A_13 = arith.constant 0 : index
    %get3A_14 = vector.load %arg4[%get3A_12, %get3A_13] : memref<512x512xf32, #tpu.memory_space<vmem>>, vector<512x512xf32>
    %dot_general3A_15 = arith.constant dense<0.000000e+00> : vector<512x512xf32>
    %dot_general3A_16 = tpu.matmul %get3A_1, %get3A_14, %dot_general3A_15 {dimension_numbers = #tpu.dot_dimension_numbers<[1], [0], [0], [1], [0, 0, 1, 1], [], []>, transpose_lhs_hint = false} : vector<512x512xf32>, vector<512x512xf32>, vector<512x512xf32> -> vector<512x512xf32>
    %get3A_17 = arith.constant 0 : index
    %get3A_18 = arith.constant 0 : index
    %get3A_19 = vector.load %arg5[%get3A_17, %get3A_18] : memref<1x512xf32, #tpu.memory_space<vmem>>, vector<1x512xf32>
    %add3A_20 = vector.broadcast %get3A_19 : vector<1x512xf32> to vector<512x512xf32>
    %add3A_21 = arith.addf %dot_general3A_16, %add3A_20 : vector<512x512xf32>
    %slice3A = vector.extract_strided_slice %add3A_21 {offsets = [0, 0], sizes = [512, 256], strides = [1, 1]} : vector<512x512xf32> to vector<512x256xf32>
    %convert_element_type3A = arith.truncf %slice3A : vector<512x256xf32> to vector<512x256xbf16>
    %convert_element_type3A_22 = arith.extf %convert_element_type3A : vector<512x256xbf16> to vector<512x256xf32>
    %bitcast_convert_type3A = tpu.bitcast %convert_element_type3A_22 : vector<512x256xf32> -> vector<512x256xi32>
    %slice3A_23 = vector.extract_strided_slice %add3A_21 {offsets = [0, 256], sizes = [512, 256], strides = [1, 1]} : vector<512x512xf32> to vector<512x256xf32>
    %convert_element_type3A_24 = arith.truncf %slice3A_23 : vector<512x256xf32> to vector<512x256xbf16>
    %convert_element_type3A_25 = arith.extf %convert_element_type3A_24 : vector<512x256xbf16> to vector<512x256xf32>
    %bitcast_convert_type3A_26 = tpu.bitcast %convert_element_type3A_25 : vector<512x256xf32> -> vector<512x256xi32>
    %shift_right_logical3A = arith.constant 16 : i32
    %shift_right_logical3A_27 = vector.broadcast %shift_right_logical3A : i32 to vector<512x256xi32>
    %shift_right_logical3A_28 = arith.shrui %bitcast_convert_type3A, %shift_right_logical3A_27 : vector<512x256xi32>
    %and3A = arith.constant -65536 : i32
    %and3A_29 = vector.broadcast %and3A : i32 to vector<512x256xi32>
    %and3A_30 = arith.andi %bitcast_convert_type3A_26, %and3A_29 : vector<512x256xi32>
    %or3A = arith.ori %shift_right_logical3A_28, %and3A_30 : vector<512x256xi32>
    %get3A_31 = arith.constant 0 : index
    %get3A_32 = arith.constant 0 : index
    %get3A_33 = vector.load %arg6[%get3A_31, %get3A_32] : memref<512x512xf32, #tpu.memory_space<vmem>>, vector<512x512xf32>
    %dot_general3A_34 = arith.constant dense<0.000000e+00> : vector<512x512xf32>
    %dot_general3A_35 = tpu.matmul %get3A_1, %get3A_33, %dot_general3A_34 {dimension_numbers = #tpu.dot_dimension_numbers<[1], [0], [0], [1], [0, 0, 1, 1], [], []>, transpose_lhs_hint = false} : vector<512x512xf32>, vector<512x512xf32>, vector<512x512xf32> -> vector<512x512xf32>
    %get3A_36 = arith.constant 0 : index
    %get3A_37 = arith.constant 0 : index
    %get3A_38 = vector.load %arg7[%get3A_36, %get3A_37] : memref<1x512xf32, #tpu.memory_space<vmem>>, vector<1x512xf32>
    %add3A_39 = vector.broadcast %get3A_38 : vector<1x512xf32> to vector<512x512xf32>
    %add3A_40 = arith.addf %dot_general3A_35, %add3A_39 : vector<512x512xf32>
    %slice3A_41 = vector.extract_strided_slice %add3A_40 {offsets = [0, 0], sizes = [512, 256], strides = [1, 1]} : vector<512x512xf32> to vector<512x256xf32>
    %convert_element_type3A_42 = arith.truncf %slice3A_41 : vector<512x256xf32> to vector<512x256xbf16>
    %convert_element_type3A_43 = arith.extf %convert_element_type3A_42 : vector<512x256xbf16> to vector<512x256xf32>
    %bitcast_convert_type3A_44 = tpu.bitcast %convert_element_type3A_43 : vector<512x256xf32> -> vector<512x256xi32>
    %slice3A_45 = vector.extract_strided_slice %add3A_40 {offsets = [0, 256], sizes = [512, 256], strides = [1, 1]} : vector<512x512xf32> to vector<512x256xf32>
    %convert_element_type3A_46 = arith.truncf %slice3A_45 : vector<512x256xf32> to vector<512x256xbf16>
    %convert_element_type3A_47 = arith.extf %convert_element_type3A_46 : vector<512x256xbf16> to vector<512x256xf32>
    %bitcast_convert_type3A_48 = tpu.bitcast %convert_element_type3A_47 : vector<512x256xf32> -> vector<512x256xi32>
    %shift_right_logical3A_49 = arith.constant 16 : i32
    %shift_right_logical3A_50 = vector.broadcast %shift_right_logical3A_49 : i32 to vector<512x256xi32>
    %shift_right_logical3A_51 = arith.shrui %bitcast_convert_type3A_44, %shift_right_logical3A_50 : vector<512x256xi32>
    %and3A_52 = arith.constant -65536 : i32
    %and3A_53 = vector.broadcast %and3A_52 : i32 to vector<512x256xi32>
    %and3A_54 = arith.andi %bitcast_convert_type3A_48, %and3A_53 : vector<512x256xi32>
    %or3A_55 = arith.ori %shift_right_logical3A_51, %and3A_54 : vector<512x256xi32>
    %concatenate3A = tpu.concatenate %or3A, %or3A_55 in 1 : vector<512x256xi32>, vector<512x256xi32> -> vector<512x512xi32>
    %swap3A_56 = arith.constant 0 : index
    %swap3A_57 = arith.constant 0 : index
    %swap3A_58 = vector.load %arg9[%swap3A_56, %swap3A_57] : memref<512x512xi32, #tpu.memory_space<vmem>>, vector<512x512xi32>
    tpu.vector_store %arg9[%swap3A_56, %swap3A_57], %concatenate3A {strides = array<i32>} : memref<512x512xi32, #tpu.memory_space<vmem>>, vector<512x512xi32>,
    return
  }
  func.func @transform_0(%arg0: i32) -> (i32, i32) {
    %c0_i32 = arith.constant 0 : i32
    %c0_i32_0 = arith.constant 0 : i32
    return %arg0, %c0_i32 : i32, i32
  }
  func.func @transform_1(%arg0: i32) -> (i32, i32) {
    %c0_i32 = arith.constant 0 : i32
    %c0_i32_0 = arith.constant 0 : i32
    %c0_i32_1 = arith.constant 0 : i32
    return %c0_i32, %c0_i32_0 : i32, i32
  }
  func.func @transform_2(%arg0: i32) -> (i32, i32) {
    %c0_i32 = arith.constant 0 : i32
    %c0_i32_0 = arith.constant 0 : i32
    %c0_i32_1 = arith.constant 0 : i32
    return %c0_i32, %c0_i32_0 : i32, i32
  }
  func.func @transform_3(%arg0: i32) -> (i32, i32) {
    %c0_i32 = arith.constant 0 : i32
    %c0_i32_0 = arith.constant 0 : i32
    %c0_i32_1 = arith.constant 0 : i32
    return %c0_i32, %c0_i32_0 : i32, i32
  }
  func.func @transform_4(%arg0: i32) -> (i32, i32) {
    %c0_i32 = arith.constant 0 : i32
    %c0_i32_0 = arith.constant 0 : i32
    %c0_i32_1 = arith.constant 0 : i32
    return %c0_i32, %c0_i32_0 : i32, i32
  }
  func.func @transform_5(%arg0: i32) -> (i32, i32) {
    %c0_i32 = arith.constant 0 : i32
    %c0_i32_0 = arith.constant 0 : i32
    %c0_i32_1 = arith.constant 0 : i32
    return %c0_i32, %c0_i32_0 : i32, i32
  }
  func.func @transform_6(%arg0: i32) -> (i32, i32) {
    %c0_i32 = arith.constant 0 : i32
    %c0_i32_0 = arith.constant 0 : i32
    %c0_i32_1 = arith.constant 0 : i32
    return %c0_i32, %c0_i32_0 : i32, i32
  }
  func.func @transform_7(%arg0: i32) -> (i32, i32) {
    %c0_i32 = arith.constant 0 : i32
    %c0_i32_0 = arith.constant 0 : i32
    return %arg0, %c0_i32 : i32, i32
  }
  func.func @transform_8(%arg0: i32) -> (i32, i32) {
    %c0_i32 = arith.constant 0 : i32
    %c0_i32_0 = arith.constant 0 : i32
    return %arg0, %c0_i32 : i32, i32
  }
}

module attributes {stable_mosaic.version = 14 : i64} {
  func.func @_attn_body(%arg0: i32, %arg1: memref<128x512xf32, #tpu.memory_space<vmem>>, %arg2: memref<128x16x512xi32, #tpu.memory_space<vmem>>, %arg3: memref<512x128xf32, #tpu.memory_space<vmem>>, %arg4: memref<128x512xf32, #tpu.memory_space<vmem>>, %arg5: memref<512x512xf32, #tpu.memory_space<vmem>>, %arg6: memref<1x512xf32, #tpu.memory_space<vmem>>, %arg7: memref<128x512xf32, #tpu.memory_space<vmem>>) attributes {dimension_semantics = [#tpu.dimension_semantics<arbitrary>], iteration_bounds = array<i64: 128>, scalar_prefetch = 0 : i64, scratch_operands = 0 : i64, tpu.core_type = #tpu.core_type<tc>, window_params = [{transform_indices = @transform_0, window_bounds = array<i64: 128, 512>}, {transform_indices = @transform_1, window_bounds = array<i64: 128, 16, 512>}, {pipeline_mode = #tpu.pipeline_mode<synchronous>, transform_indices = @transform_2, window_bounds = array<i64: 512, 128>}, {pipeline_mode = #tpu.pipeline_mode<synchronous>, transform_indices = @transform_3, window_bounds = array<i64: 128, 512>}, {pipeline_mode = #tpu.pipeline_mode<synchronous>, transform_indices = @transform_4, window_bounds = array<i64: 512, 512>}, {pipeline_mode = #tpu.pipeline_mode<synchronous>, transform_indices = @transform_5, window_bounds = array<i64: 1, 512>}, {transform_indices = @transform_6, window_bounds = array<i64: 128, 512>}]} {
    %get3A = arith.constant 0 : index
    %get3A_0 = arith.constant 0 : index
    %get3A_1 = arith.constant 0 : index
    %get3A_2 = vector.load %arg2[%get3A, %get3A_0, %get3A_1] : memref<128x16x512xi32, #tpu.memory_space<vmem>>, vector<128x16x512xi32>
    %slice3A = vector.extract_strided_slice %get3A_2 {offsets = [0, 0, 0], sizes = [128, 16, 256], strides = [1, 1, 1]} : vector<128x16x512xi32> to vector<128x16x256xi32>
    %shift_left3A = arith.constant 16 : i32
    %shift_left3A_3 = vector.broadcast %shift_left3A : i32 to vector<128x16x256xi32>
    %shift_left3A_4 = arith.shli %slice3A, %shift_left3A_3 : vector<128x16x256xi32>
    %bitcast_convert_type3A = tpu.bitcast %shift_left3A_4 : vector<128x16x256xi32> -> vector<128x16x256xf32>
    %and3A = arith.constant -65536 : i32
    %and3A_5 = vector.broadcast %and3A : i32 to vector<128x16x256xi32>
    %and3A_6 = arith.andi %slice3A, %and3A_5 : vector<128x16x256xi32>
    %bitcast_convert_type3A_7 = tpu.bitcast %and3A_6 : vector<128x16x256xi32> -> vector<128x16x256xf32>
    %concatenate3A = tpu.concatenate %bitcast_convert_type3A, %bitcast_convert_type3A_7 in 2 : vector<128x16x256xf32>, vector<128x16x256xf32> -> vector<128x16x512xf32>
    %slice3A_8 = vector.extract_strided_slice %get3A_2 {offsets = [0, 0, 256], sizes = [128, 16, 256], strides = [1, 1, 1]} : vector<128x16x512xi32> to vector<128x16x256xi32>
    %shift_left3A_9 = arith.constant 16 : i32
    %shift_left3A_10 = vector.broadcast %shift_left3A_9 : i32 to vector<128x16x256xi32>
    %shift_left3A_11 = arith.shli %slice3A_8, %shift_left3A_10 : vector<128x16x256xi32>
    %bitcast_convert_type3A_12 = tpu.bitcast %shift_left3A_11 : vector<128x16x256xi32> -> vector<128x16x256xf32>
    %and3A_13 = arith.constant -65536 : i32
    %and3A_14 = vector.broadcast %and3A_13 : i32 to vector<128x16x256xi32>
    %and3A_15 = arith.andi %slice3A_8, %and3A_14 : vector<128x16x256xi32>
    %bitcast_convert_type3A_16 = tpu.bitcast %and3A_15 : vector<128x16x256xi32> -> vector<128x16x256xf32>
    %concatenate3A_17 = tpu.concatenate %bitcast_convert_type3A_12, %bitcast_convert_type3A_16 in 2 : vector<128x16x256xf32>, vector<128x16x256xf32> -> vector<128x16x512xf32>
    %get3A_18 = arith.constant 0 : index
    %get3A_19 = arith.constant 0 : index
    %get3A_20 = vector.load %arg1[%get3A_18, %get3A_19] : memref<128x512xf32, #tpu.memory_space<vmem>>, vector<128x512xf32>
    %broadcast_in_dim3A = vector.shape_cast %get3A_20 : vector<128x512xf32> to vector<128x1x512xf32>
    %broadcast_in_dim3A_21 = vector.shape_cast %broadcast_in_dim3A : vector<128x1x512xf32> to vector<128x1x512xf32>
    %broadcast_in_dim3A_22 = vector.broadcast %broadcast_in_dim3A_21 : vector<128x1x512xf32> to vector<128x16x512xf32>
    %mul3A = arith.mulf %broadcast_in_dim3A_22, %concatenate3A : vector<128x16x512xf32>
    %reshape3A = vector.shape_cast %mul3A : vector<128x16x512xf32> to vector<2048x512xf32>
    %get3A_23 = arith.constant 0 : index
    %get3A_24 = arith.constant 0 : index
    %get3A_25 = vector.load %arg3[%get3A_23, %get3A_24] : memref<512x128xf32, #tpu.memory_space<vmem>>, vector<512x128xf32>
    %dot_general3A = arith.constant dense<0.000000e+00> : vector<2048x128xf32>
    %dot_general3A_26 = tpu.matmul %reshape3A, %get3A_25, %dot_general3A {dimension_numbers = #tpu.dot_dimension_numbers<[1], [0], [0], [1], [0, 0, 1, 1], [], []>, transpose_lhs_hint = false} : vector<2048x512xf32>, vector<512x128xf32>, vector<2048x128xf32> -> vector<2048x128xf32>
    %mul3A_27 = arith.constant 1.250000e-01 : f32
    %mul3A_28 = vector.broadcast %mul3A_27 : f32 to vector<2048x128xf32>
    %mul3A_29 = arith.mulf %dot_general3A_26, %mul3A_28 : vector<2048x128xf32>
    %reshape3A_30 = vector.shape_cast %mul3A_29 : vector<2048x128xf32> to vector<128x16x128xf32>
    %slice3A_31 = vector.extract_strided_slice %reshape3A_30 {offsets = [0, 0, 0], sizes = [128, 1, 128], strides = [1, 1, 1]} : vector<128x16x128xf32> to vector<128x1x128xf32>
    %squeeze3A = vector.shape_cast %slice3A_31 : vector<128x1x128xf32> to vector<128x128xf32>
    %slice3A_32 = vector.extract_strided_slice %reshape3A_30 {offsets = [0, 1, 0], sizes = [128, 1, 128], strides = [1, 1, 1]} : vector<128x16x128xf32> to vector<128x1x128xf32>
    %squeeze3A_33 = vector.shape_cast %slice3A_32 : vector<128x1x128xf32> to vector<128x128xf32>
    %max3A = arith.maximumf %squeeze3A, %squeeze3A_33 : vector<128x128xf32>
    %slice3A_34 = vector.extract_strided_slice %reshape3A_30 {offsets = [0, 2, 0], sizes = [128, 1, 128], strides = [1, 1, 1]} : vector<128x16x128xf32> to vector<128x1x128xf32>
    %squeeze3A_35 = vector.shape_cast %slice3A_34 : vector<128x1x128xf32> to vector<128x128xf32>
    %max3A_36 = arith.maximumf %max3A, %squeeze3A_35 : vector<128x128xf32>
    %slice3A_37 = vector.extract_strided_slice %reshape3A_30 {offsets = [0, 3, 0], sizes = [128, 1, 128], strides = [1, 1, 1]} : vector<128x16x128xf32> to vector<128x1x128xf32>
    %squeeze3A_38 = vector.shape_cast %slice3A_37 : vector<128x1x128xf32> to vector<128x128xf32>
    %max3A_39 = arith.maximumf %max3A_36, %squeeze3A_38 : vector<128x128xf32>
    %slice3A_40 = vector.extract_strided_slice %reshape3A_30 {offsets = [0, 4, 0], sizes = [128, 1, 128], strides = [1, 1, 1]} : vector<128x16x128xf32> to vector<128x1x128xf32>
    %squeeze3A_41 = vector.shape_cast %slice3A_40 : vector<128x1x128xf32> to vector<128x128xf32>
    %max3A_42 = arith.maximumf %max3A_39, %squeeze3A_41 : vector<128x128xf32>
    %slice3A_43 = vector.extract_strided_slice %reshape3A_30 {offsets = [0, 5, 0], sizes = [128, 1, 128], strides = [1, 1, 1]} : vector<128x16x128xf32> to vector<128x1x128xf32>
    %squeeze3A_44 = vector.shape_cast %slice3A_43 : vector<128x1x128xf32> to vector<128x128xf32>
    %max3A_45 = arith.maximumf %max3A_42, %squeeze3A_44 : vector<128x128xf32>
    %slice3A_46 = vector.extract_strided_slice %reshape3A_30 {offsets = [0, 6, 0], sizes = [128, 1, 128], strides = [1, 1, 1]} : vector<128x16x128xf32> to vector<128x1x128xf32>
    %squeeze3A_47 = vector.shape_cast %slice3A_46 : vector<128x1x128xf32> to vector<128x128xf32>
    %max3A_48 = arith.maximumf %max3A_45, %squeeze3A_47 : vector<128x128xf32>
    %slice3A_49 = vector.extract_strided_slice %reshape3A_30 {offsets = [0, 7, 0], sizes = [128, 1, 128], strides = [1, 1, 1]} : vector<128x16x128xf32> to vector<128x1x128xf32>
    %squeeze3A_50 = vector.shape_cast %slice3A_49 : vector<128x1x128xf32> to vector<128x128xf32>
    %max3A_51 = arith.maximumf %max3A_48, %squeeze3A_50 : vector<128x128xf32>
    %slice3A_52 = vector.extract_strided_slice %reshape3A_30 {offsets = [0, 8, 0], sizes = [128, 1, 128], strides = [1, 1, 1]} : vector<128x16x128xf32> to vector<128x1x128xf32>
    %squeeze3A_53 = vector.shape_cast %slice3A_52 : vector<128x1x128xf32> to vector<128x128xf32>
    %max3A_54 = arith.maximumf %max3A_51, %squeeze3A_53 : vector<128x128xf32>
    %slice3A_55 = vector.extract_strided_slice %reshape3A_30 {offsets = [0, 9, 0], sizes = [128, 1, 128], strides = [1, 1, 1]} : vector<128x16x128xf32> to vector<128x1x128xf32>
    %squeeze3A_56 = vector.shape_cast %slice3A_55 : vector<128x1x128xf32> to vector<128x128xf32>
    %max3A_57 = arith.maximumf %max3A_54, %squeeze3A_56 : vector<128x128xf32>
    %slice3A_58 = vector.extract_strided_slice %reshape3A_30 {offsets = [0, 10, 0], sizes = [128, 1, 128], strides = [1, 1, 1]} : vector<128x16x128xf32> to vector<128x1x128xf32>
    %squeeze3A_59 = vector.shape_cast %slice3A_58 : vector<128x1x128xf32> to vector<128x128xf32>
    %max3A_60 = arith.maximumf %max3A_57, %squeeze3A_59 : vector<128x128xf32>
    %slice3A_61 = vector.extract_strided_slice %reshape3A_30 {offsets = [0, 11, 0], sizes = [128, 1, 128], strides = [1, 1, 1]} : vector<128x16x128xf32> to vector<128x1x128xf32>
    %squeeze3A_62 = vector.shape_cast %slice3A_61 : vector<128x1x128xf32> to vector<128x128xf32>
    %max3A_63 = arith.maximumf %max3A_60, %squeeze3A_62 : vector<128x128xf32>
    %slice3A_64 = vector.extract_strided_slice %reshape3A_30 {offsets = [0, 12, 0], sizes = [128, 1, 128], strides = [1, 1, 1]} : vector<128x16x128xf32> to vector<128x1x128xf32>
    %squeeze3A_65 = vector.shape_cast %slice3A_64 : vector<128x1x128xf32> to vector<128x128xf32>
    %max3A_66 = arith.maximumf %max3A_63, %squeeze3A_65 : vector<128x128xf32>
    %slice3A_67 = vector.extract_strided_slice %reshape3A_30 {offsets = [0, 13, 0], sizes = [128, 1, 128], strides = [1, 1, 1]} : vector<128x16x128xf32> to vector<128x1x128xf32>
    %squeeze3A_68 = vector.shape_cast %slice3A_67 : vector<128x1x128xf32> to vector<128x128xf32>
    %max3A_69 = arith.maximumf %max3A_66, %squeeze3A_68 : vector<128x128xf32>
    %slice3A_70 = vector.extract_strided_slice %reshape3A_30 {offsets = [0, 14, 0], sizes = [128, 1, 128], strides = [1, 1, 1]} : vector<128x16x128xf32> to vector<128x1x128xf32>
    %squeeze3A_71 = vector.shape_cast %slice3A_70 : vector<128x1x128xf32> to vector<128x128xf32>
    %max3A_72 = arith.maximumf %max3A_69, %squeeze3A_71 : vector<128x128xf32>
    %slice3A_73 = vector.extract_strided_slice %reshape3A_30 {offsets = [0, 15, 0], sizes = [128, 1, 128], strides = [1, 1, 1]} : vector<128x16x128xf32> to vector<128x1x128xf32>
    %squeeze3A_74 = vector.shape_cast %slice3A_73 : vector<128x1x128xf32> to vector<128x128xf32>
    %max3A_75 = arith.maximumf %max3A_72, %squeeze3A_74 : vector<128x128xf32>
    %broadcast_in_dim3A_76 = vector.shape_cast %max3A_75 : vector<128x128xf32> to vector<128x1x128xf32>
    %sub3A = vector.broadcast %broadcast_in_dim3A_76 : vector<128x1x128xf32> to vector<128x16x128xf32>
    %sub3A_77 = arith.subf %reshape3A_30, %sub3A : vector<128x16x128xf32>
    %exp3A = math.exp %sub3A_77 : vector<128x16x128xf32>
    %slice3A_78 = vector.extract_strided_slice %exp3A {offsets = [0, 0, 0], sizes = [128, 1, 128], strides = [1, 1, 1]} : vector<128x16x128xf32> to vector<128x1x128xf32>
    %squeeze3A_79 = vector.shape_cast %slice3A_78 : vector<128x1x128xf32> to vector<128x128xf32>
    %slice3A_80 = vector.extract_strided_slice %exp3A {offsets = [0, 1, 0], sizes = [128, 1, 128], strides = [1, 1, 1]} : vector<128x16x128xf32> to vector<128x1x128xf32>
    %squeeze3A_81 = vector.shape_cast %slice3A_80 : vector<128x1x128xf32> to vector<128x128xf32>
    %add3A = arith.addf %squeeze3A_79, %squeeze3A_81 : vector<128x128xf32>
    %slice3A_82 = vector.extract_strided_slice %exp3A {offsets = [0, 2, 0], sizes = [128, 1, 128], strides = [1, 1, 1]} : vector<128x16x128xf32> to vector<128x1x128xf32>
    %squeeze3A_83 = vector.shape_cast %slice3A_82 : vector<128x1x128xf32> to vector<128x128xf32>
    %add3A_84 = arith.addf %add3A, %squeeze3A_83 : vector<128x128xf32>
    %slice3A_85 = vector.extract_strided_slice %exp3A {offsets = [0, 3, 0], sizes = [128, 1, 128], strides = [1, 1, 1]} : vector<128x16x128xf32> to vector<128x1x128xf32>
    %squeeze3A_86 = vector.shape_cast %slice3A_85 : vector<128x1x128xf32> to vector<128x128xf32>
    %add3A_87 = arith.addf %add3A_84, %squeeze3A_86 : vector<128x128xf32>
    %slice3A_88 = vector.extract_strided_slice %exp3A {offsets = [0, 4, 0], sizes = [128, 1, 128], strides = [1, 1, 1]} : vector<128x16x128xf32> to vector<128x1x128xf32>
    %squeeze3A_89 = vector.shape_cast %slice3A_88 : vector<128x1x128xf32> to vector<128x128xf32>
    %add3A_90 = arith.addf %add3A_87, %squeeze3A_89 : vector<128x128xf32>
    %slice3A_91 = vector.extract_strided_slice %exp3A {offsets = [0, 5, 0], sizes = [128, 1, 128], strides = [1, 1, 1]} : vector<128x16x128xf32> to vector<128x1x128xf32>
    %squeeze3A_92 = vector.shape_cast %slice3A_91 : vector<128x1x128xf32> to vector<128x128xf32>
    %add3A_93 = arith.addf %add3A_90, %squeeze3A_92 : vector<128x128xf32>
    %slice3A_94 = vector.extract_strided_slice %exp3A {offsets = [0, 6, 0], sizes = [128, 1, 128], strides = [1, 1, 1]} : vector<128x16x128xf32> to vector<128x1x128xf32>
    %squeeze3A_95 = vector.shape_cast %slice3A_94 : vector<128x1x128xf32> to vector<128x128xf32>
    %add3A_96 = arith.addf %add3A_93, %squeeze3A_95 : vector<128x128xf32>
    %slice3A_97 = vector.extract_strided_slice %exp3A {offsets = [0, 7, 0], sizes = [128, 1, 128], strides = [1, 1, 1]} : vector<128x16x128xf32> to vector<128x1x128xf32>
    %squeeze3A_98 = vector.shape_cast %slice3A_97 : vector<128x1x128xf32> to vector<128x128xf32>
    %add3A_99 = arith.addf %add3A_96, %squeeze3A_98 : vector<128x128xf32>
    %slice3A_100 = vector.extract_strided_slice %exp3A {offsets = [0, 8, 0], sizes = [128, 1, 128], strides = [1, 1, 1]} : vector<128x16x128xf32> to vector<128x1x128xf32>
    %squeeze3A_101 = vector.shape_cast %slice3A_100 : vector<128x1x128xf32> to vector<128x128xf32>
    %add3A_102 = arith.addf %add3A_99, %squeeze3A_101 : vector<128x128xf32>
    %slice3A_103 = vector.extract_strided_slice %exp3A {offsets = [0, 9, 0], sizes = [128, 1, 128], strides = [1, 1, 1]} : vector<128x16x128xf32> to vector<128x1x128xf32>
    %squeeze3A_104 = vector.shape_cast %slice3A_103 : vector<128x1x128xf32> to vector<128x128xf32>
    %add3A_105 = arith.addf %add3A_102, %squeeze3A_104 : vector<128x128xf32>
    %slice3A_106 = vector.extract_strided_slice %exp3A {offsets = [0, 10, 0], sizes = [128, 1, 128], strides = [1, 1, 1]} : vector<128x16x128xf32> to vector<128x1x128xf32>
    %squeeze3A_107 = vector.shape_cast %slice3A_106 : vector<128x1x128xf32> to vector<128x128xf32>
    %add3A_108 = arith.addf %add3A_105, %squeeze3A_107 : vector<128x128xf32>
    %slice3A_109 = vector.extract_strided_slice %exp3A {offsets = [0, 11, 0], sizes = [128, 1, 128], strides = [1, 1, 1]} : vector<128x16x128xf32> to vector<128x1x128xf32>
    %squeeze3A_110 = vector.shape_cast %slice3A_109 : vector<128x1x128xf32> to vector<128x128xf32>
    %add3A_111 = arith.addf %add3A_108, %squeeze3A_110 : vector<128x128xf32>
    %slice3A_112 = vector.extract_strided_slice %exp3A {offsets = [0, 12, 0], sizes = [128, 1, 128], strides = [1, 1, 1]} : vector<128x16x128xf32> to vector<128x1x128xf32>
    %squeeze3A_113 = vector.shape_cast %slice3A_112 : vector<128x1x128xf32> to vector<128x128xf32>
    %add3A_114 = arith.addf %add3A_111, %squeeze3A_113 : vector<128x128xf32>
    %slice3A_115 = vector.extract_strided_slice %exp3A {offsets = [0, 13, 0], sizes = [128, 1, 128], strides = [1, 1, 1]} : vector<128x16x128xf32> to vector<128x1x128xf32>
    %squeeze3A_116 = vector.shape_cast %slice3A_115 : vector<128x1x128xf32> to vector<128x128xf32>
    %add3A_117 = arith.addf %add3A_114, %squeeze3A_116 : vector<128x128xf32>
    %slice3A_118 = vector.extract_strided_slice %exp3A {offsets = [0, 14, 0], sizes = [128, 1, 128], strides = [1, 1, 1]} : vector<128x16x128xf32> to vector<128x1x128xf32>
    %squeeze3A_119 = vector.shape_cast %slice3A_118 : vector<128x1x128xf32> to vector<128x128xf32>
    %add3A_120 = arith.addf %add3A_117, %squeeze3A_119 : vector<128x128xf32>
    %slice3A_121 = vector.extract_strided_slice %exp3A {offsets = [0, 15, 0], sizes = [128, 1, 128], strides = [1, 1, 1]} : vector<128x16x128xf32> to vector<128x1x128xf32>
    %squeeze3A_122 = vector.shape_cast %slice3A_121 : vector<128x1x128xf32> to vector<128x128xf32>
    %add3A_123 = arith.addf %add3A_120, %squeeze3A_122 : vector<128x128xf32>
    %broadcast_in_dim3A_124 = vector.shape_cast %add3A_123 : vector<128x128xf32> to vector<128x1x128xf32>
    %div3A = vector.broadcast %broadcast_in_dim3A_124 : vector<128x1x128xf32> to vector<128x16x128xf32>
    %div3A_125 = arith.divf %exp3A, %div3A : vector<128x16x128xf32>
    %reshape3A_126 = vector.shape_cast %div3A_125 : vector<128x16x128xf32> to vector<2048x128xf32>
    %get3A_127 = arith.constant 0 : index
    %get3A_128 = arith.constant 0 : index
    %get3A_129 = vector.load %arg4[%get3A_127, %get3A_128] : memref<128x512xf32, #tpu.memory_space<vmem>>, vector<128x512xf32>
    %dot_general3A_130 = arith.constant dense<0.000000e+00> : vector<2048x512xf32>
    %dot_general3A_131 = tpu.matmul %reshape3A_126, %get3A_129, %dot_general3A_130 {dimension_numbers = #tpu.dot_dimension_numbers<[1], [0], [0], [1], [0, 0, 1, 1], [], []>, transpose_lhs_hint = false} : vector<2048x128xf32>, vector<128x512xf32>, vector<2048x512xf32> -> vector<2048x512xf32>
    %reshape3A_132 = vector.shape_cast %concatenate3A_17 : vector<128x16x512xf32> to vector<2048x512xf32>
    %mul3A_133 = arith.mulf %dot_general3A_131, %reshape3A_132 : vector<2048x512xf32>
    %reshape3A_134 = vector.shape_cast %mul3A_133 : vector<2048x512xf32> to vector<128x16x512xf32>
    %slice3A_135 = vector.extract_strided_slice %reshape3A_134 {offsets = [0, 0, 0], sizes = [128, 1, 512], strides = [1, 1, 1]} : vector<128x16x512xf32> to vector<128x1x512xf32>
    %squeeze3A_136 = vector.shape_cast %slice3A_135 : vector<128x1x512xf32> to vector<128x512xf32>
    %slice3A_137 = vector.extract_strided_slice %reshape3A_134 {offsets = [0, 1, 0], sizes = [128, 1, 512], strides = [1, 1, 1]} : vector<128x16x512xf32> to vector<128x1x512xf32>
    %squeeze3A_138 = vector.shape_cast %slice3A_137 : vector<128x1x512xf32> to vector<128x512xf32>
    %add3A_139 = arith.addf %squeeze3A_136, %squeeze3A_138 : vector<128x512xf32>
    %slice3A_140 = vector.extract_strided_slice %reshape3A_134 {offsets = [0, 2, 0], sizes = [128, 1, 512], strides = [1, 1, 1]} : vector<128x16x512xf32> to vector<128x1x512xf32>
    %squeeze3A_141 = vector.shape_cast %slice3A_140 : vector<128x1x512xf32> to vector<128x512xf32>
    %add3A_142 = arith.addf %add3A_139, %squeeze3A_141 : vector<128x512xf32>
    %slice3A_143 = vector.extract_strided_slice %reshape3A_134 {offsets = [0, 3, 0], sizes = [128, 1, 512], strides = [1, 1, 1]} : vector<128x16x512xf32> to vector<128x1x512xf32>
    %squeeze3A_144 = vector.shape_cast %slice3A_143 : vector<128x1x512xf32> to vector<128x512xf32>
    %add3A_145 = arith.addf %add3A_142, %squeeze3A_144 : vector<128x512xf32>
    %slice3A_146 = vector.extract_strided_slice %reshape3A_134 {offsets = [0, 4, 0], sizes = [128, 1, 512], strides = [1, 1, 1]} : vector<128x16x512xf32> to vector<128x1x512xf32>
    %squeeze3A_147 = vector.shape_cast %slice3A_146 : vector<128x1x512xf32> to vector<128x512xf32>
    %add3A_148 = arith.addf %add3A_145, %squeeze3A_147 : vector<128x512xf32>
    %slice3A_149 = vector.extract_strided_slice %reshape3A_134 {offsets = [0, 5, 0], sizes = [128, 1, 512], strides = [1, 1, 1]} : vector<128x16x512xf32> to vector<128x1x512xf32>
    %squeeze3A_150 = vector.shape_cast %slice3A_149 : vector<128x1x512xf32> to vector<128x512xf32>
    %add3A_151 = arith.addf %add3A_148, %squeeze3A_150 : vector<128x512xf32>
    %slice3A_152 = vector.extract_strided_slice %reshape3A_134 {offsets = [0, 6, 0], sizes = [128, 1, 512], strides = [1, 1, 1]} : vector<128x16x512xf32> to vector<128x1x512xf32>
    %squeeze3A_153 = vector.shape_cast %slice3A_152 : vector<128x1x512xf32> to vector<128x512xf32>
    %add3A_154 = arith.addf %add3A_151, %squeeze3A_153 : vector<128x512xf32>
    %slice3A_155 = vector.extract_strided_slice %reshape3A_134 {offsets = [0, 7, 0], sizes = [128, 1, 512], strides = [1, 1, 1]} : vector<128x16x512xf32> to vector<128x1x512xf32>
    %squeeze3A_156 = vector.shape_cast %slice3A_155 : vector<128x1x512xf32> to vector<128x512xf32>
    %add3A_157 = arith.addf %add3A_154, %squeeze3A_156 : vector<128x512xf32>
    %slice3A_158 = vector.extract_strided_slice %reshape3A_134 {offsets = [0, 8, 0], sizes = [128, 1, 512], strides = [1, 1, 1]} : vector<128x16x512xf32> to vector<128x1x512xf32>
    %squeeze3A_159 = vector.shape_cast %slice3A_158 : vector<128x1x512xf32> to vector<128x512xf32>
    %add3A_160 = arith.addf %add3A_157, %squeeze3A_159 : vector<128x512xf32>
    %slice3A_161 = vector.extract_strided_slice %reshape3A_134 {offsets = [0, 9, 0], sizes = [128, 1, 512], strides = [1, 1, 1]} : vector<128x16x512xf32> to vector<128x1x512xf32>
    %squeeze3A_162 = vector.shape_cast %slice3A_161 : vector<128x1x512xf32> to vector<128x512xf32>
    %add3A_163 = arith.addf %add3A_160, %squeeze3A_162 : vector<128x512xf32>
    %slice3A_164 = vector.extract_strided_slice %reshape3A_134 {offsets = [0, 10, 0], sizes = [128, 1, 512], strides = [1, 1, 1]} : vector<128x16x512xf32> to vector<128x1x512xf32>
    %squeeze3A_165 = vector.shape_cast %slice3A_164 : vector<128x1x512xf32> to vector<128x512xf32>
    %add3A_166 = arith.addf %add3A_163, %squeeze3A_165 : vector<128x512xf32>
    %slice3A_167 = vector.extract_strided_slice %reshape3A_134 {offsets = [0, 11, 0], sizes = [128, 1, 512], strides = [1, 1, 1]} : vector<128x16x512xf32> to vector<128x1x512xf32>
    %squeeze3A_168 = vector.shape_cast %slice3A_167 : vector<128x1x512xf32> to vector<128x512xf32>
    %add3A_169 = arith.addf %add3A_166, %squeeze3A_168 : vector<128x512xf32>
    %slice3A_170 = vector.extract_strided_slice %reshape3A_134 {offsets = [0, 12, 0], sizes = [128, 1, 512], strides = [1, 1, 1]} : vector<128x16x512xf32> to vector<128x1x512xf32>
    %squeeze3A_171 = vector.shape_cast %slice3A_170 : vector<128x1x512xf32> to vector<128x512xf32>
    %add3A_172 = arith.addf %add3A_169, %squeeze3A_171 : vector<128x512xf32>
    %slice3A_173 = vector.extract_strided_slice %reshape3A_134 {offsets = [0, 13, 0], sizes = [128, 1, 512], strides = [1, 1, 1]} : vector<128x16x512xf32> to vector<128x1x512xf32>
    %squeeze3A_174 = vector.shape_cast %slice3A_173 : vector<128x1x512xf32> to vector<128x512xf32>
    %add3A_175 = arith.addf %add3A_172, %squeeze3A_174 : vector<128x512xf32>
    %slice3A_176 = vector.extract_strided_slice %reshape3A_134 {offsets = [0, 14, 0], sizes = [128, 1, 512], strides = [1, 1, 1]} : vector<128x16x512xf32> to vector<128x1x512xf32>
    %squeeze3A_177 = vector.shape_cast %slice3A_176 : vector<128x1x512xf32> to vector<128x512xf32>
    %add3A_178 = arith.addf %add3A_175, %squeeze3A_177 : vector<128x512xf32>
    %slice3A_179 = vector.extract_strided_slice %reshape3A_134 {offsets = [0, 15, 0], sizes = [128, 1, 512], strides = [1, 1, 1]} : vector<128x16x512xf32> to vector<128x1x512xf32>
    %squeeze3A_180 = vector.shape_cast %slice3A_179 : vector<128x1x512xf32> to vector<128x512xf32>
    %add3A_181 = arith.addf %add3A_178, %squeeze3A_180 : vector<128x512xf32>
    %get3A_182 = arith.constant 0 : index
    %get3A_183 = arith.constant 0 : index
    %get3A_184 = vector.load %arg5[%get3A_182, %get3A_183] : memref<512x512xf32, #tpu.memory_space<vmem>>, vector<512x512xf32>
    %dot_general3A_185 = arith.constant dense<0.000000e+00> : vector<128x512xf32>
    %dot_general3A_186 = tpu.matmul %add3A_181, %get3A_184, %dot_general3A_185 {dimension_numbers = #tpu.dot_dimension_numbers<[1], [0], [0], [1], [0, 0, 1, 1], [], []>, transpose_lhs_hint = false} : vector<128x512xf32>, vector<512x512xf32>, vector<128x512xf32> -> vector<128x512xf32>
    %get3A_187 = arith.constant 0 : index
    %get3A_188 = arith.constant 0 : index
    %get3A_189 = vector.load %arg6[%get3A_187, %get3A_188] : memref<1x512xf32, #tpu.memory_space<vmem>>, vector<1x512xf32>
    %add3A_190 = vector.broadcast %get3A_189 : vector<1x512xf32> to vector<128x512xf32>
    %add3A_191 = arith.addf %dot_general3A_186, %add3A_190 : vector<128x512xf32>
    %swap3A = arith.constant 0 : index
    %swap3A_192 = arith.constant 0 : index
    %swap3A_193 = vector.load %arg7[%swap3A, %swap3A_192] : memref<128x512xf32, #tpu.memory_space<vmem>>, vector<128x512xf32>
    tpu.vector_store %arg7[%swap3A, %swap3A_192], %add3A_191 {strides = array<i32>} : memref<128x512xf32, #tpu.memory_space<vmem>>, vector<128x512xf32>,
    return
  }
  func.func @transform_0(%arg0: i32) -> (i32, i32) {
    %c0_i32 = arith.constant 0 : i32
    %c0_i32_0 = arith.constant 0 : i32
    return %arg0, %c0_i32 : i32, i32
  }
  func.func @transform_1(%arg0: i32) -> (i32, i32, i32) {
    %c0_i32 = arith.constant 0 : i32
    %c0_i32_0 = arith.constant 0 : i32
    %c0_i32_1 = arith.constant 0 : i32
    return %arg0, %c0_i32, %c0_i32_0 : i32, i32, i32
  }
  func.func @transform_2(%arg0: i32) -> (i32, i32) {
    %c0_i32 = arith.constant 0 : i32
    %c0_i32_0 = arith.constant 0 : i32
    %c0_i32_1 = arith.constant 0 : i32
    return %c0_i32, %c0_i32_0 : i32, i32
  }
  func.func @transform_3(%arg0: i32) -> (i32, i32) {
    %c0_i32 = arith.constant 0 : i32
    %c0_i32_0 = arith.constant 0 : i32
    %c0_i32_1 = arith.constant 0 : i32
    return %c0_i32, %c0_i32_0 : i32, i32
  }
  func.func @transform_4(%arg0: i32) -> (i32, i32) {
    %c0_i32 = arith.constant 0 : i32
    %c0_i32_0 = arith.constant 0 : i32
    %c0_i32_1 = arith.constant 0 : i32
    return %c0_i32, %c0_i32_0 : i32, i32
  }
  func.func @transform_5(%arg0: i32) -> (i32, i32) {
    %c0_i32 = arith.constant 0 : i32
    %c0_i32_0 = arith.constant 0 : i32
    %c0_i32_1 = arith.constant 0 : i32
    return %c0_i32, %c0_i32_0 : i32, i32
  }
  func.func @transform_6(%arg0: i32) -> (i32, i32) {
    %c0_i32 = arith.constant 0 : i32
    %c0_i32_0 = arith.constant 0 : i32
    return %arg0, %c0_i32 : i32, i32
  }
}

</mosaic_0001>

<sc_bundles>
// kernel: kernel.6.cloned.1.call-start
scs
__scs_entry_jumppad:
0x0: {  	(pc) =	sbr.rel $0x88, $3  }
0x1: {  	(tag) =	ssettag $0x0;
	lr =	simm.s32 $0x1  }
0x2: {  	[smem:$0x3F97] =	sst lr;
	_ =	strace $0xD0000000  }
0x3: {  	_ = 	snop  }
0x4: {  	_ = 	snop  }
0x5: {  	_ = 	snop  }
0x6: {  	_ = 	snop  }
0x7: {  	_ = 	snop  }
__scs_overlays_trampoline_lowered:
0x8: {  	[smem:$0x3FA6] =	sst s0  }
0x9: {  	[smem:$0x3FA7] =	sst s1  }
0xa: {  	[smem:$0x3FA8] =	sst s2  }
0xb: {  	[smem:$0x3FA9] =	sst s3  }
0xc: {  	[smem:$0x3FAA] =	sst s4  }
0xd: {  	[smem:$0x3FAB] =	sst s5  }
0xe: {  	[smem:$0x3FAC] =	sst s6  }
0xf: {  	[smem:$0x3FAD] =	sst s7  }
0x10: {  	[smem:$0x3FAE] =	sst s8  }
0x11: {  	[smem:$0x3FAF] =	sst s9;
	s0 =	simm.s32 @!p0 $0x0  }
0x12: {  	s1 =	sld [smem:$0x3F95];
	s0 =	simm.s32 @p0 $0x1  }
0x13: {  	[smem:$0x3FB0] =	sst s0;
	s0 =	simm.s32 @!p1 $0x0  }
0x14: {  	s2 =	sld [smem:$0x3F94];
	s0 =	simm.s32 @p1 $0x1  }
0x15: {  	[smem:$0x3FB1] =	sst s0;
	s0 =	simm.s32 @!p2 $0x0  }
0x16: {  	s3 =	sld [smem:$0x3FDB];
	s0 =	simm.s32 @p2 $0x1  }
0x17: {  	s4 =	simm.s32 $0x1BF5;
	[smem:$0x3FB3] =	sst s0  }
0x18: {  	s0 =	sld [smem:$0x3F96];
	_ =	swait.ge [sflag:s4], $0x0  }
0x19: {  	s7 =	sld [smem:$0x3F97]  }
0x1a: {  	s8 =	sadd.s32 $0xFFFFE003, lr  }
0x1b: {  	s9 =	sadd.s32 $0xFFFFFEF7, lr;
	s5 =	simm.s32 $0xFFFFFFFF;
	p2 =	slt.u32 s8, $0xFFFFF086  }
0x1c: {  	p1 =	slt.u32 s9, $0xF7A;
	s5 =	simm.s32 @!p2 $0x0  }
0x1d: {  	s5 =	simm.s32 @p1 $0x1;
	p0 =	seq.s32 s7, s2  }
0x1e: {  	s7 =	smul.u32 @!p0 $0xF7A, s2;
	p2 =	seq.s32 @!p0 s5, $0x0  }
0x1f: {  	s9 =	smul.u32 $0xF7A, s1;
	s8 =	simm.s32 @!p0 $0x1BF5;
	p2 =	por !p2, p0  }
0x20: {  	[sflag:s8] =	ssyncset.s32 @!p0 $0xFFFFF086;
	s6 =	sadd.s32 @!p0 s3, s7;
	s7 =	simm.s32 @!p0 $0x108  }
0x21: {  	s3 =	sadd.s32 s3, s9;
	s6 =	sadd.s32 @!p0 $0x88, s6;
	s7 =	simm.s32 @p2 $0x1082  }
0x22: {  	[simem:s7], [sflag:s8] =	dma.local @!p0 [hbm:s6], $0xF7A  }
0x23: {  	s9 =	sor.u32 $0xD0000000, s2;
	s6 =	simm.s32 $0x108;
	_ =	swait.ge @!p0 [sflag:s8], $0x0  }
0x24: {  	s3 =	sadd.s32 $0x88, s3;
	s6 =	simm.s32 @!p1 $0x1082;
	[sflag:s4] =	ssyncset.s32 $0xFFFFF086  }
0x25: {  	[simem:s6], [sflag:s4] =	dma.local [hbm:s3], $0xF7A  }
0x26: {  	[smem:$0x3F97] =	sst s1;
	(tag) =	ssettag s2;
	_ =	strace s9  }
0x27: {  	s1 =	sld [smem:$0x3FA7]  }
0x28: {  	s2 =	sld [smem:$0x3FA8]  }
0x29: {  	s4 =	sld [smem:$0x3FAA]  }
0x2a: {  	p0 =	seq.s32 s5, $0x0;
	s5 =	sld [smem:$0x3FAB]  }
0x2b: {  	s6 =	sld [smem:$0x3FAC]  }
0x2c: {  	s7 =	sld [smem:$0x3FAD]  }
0x2d: {  	s3 =	simm.s32 $0x108;
	s8 =	sld [smem:$0x3FAE]  }
0x2e: {  	s3 =	simm.s32 @!p0 $0x1082;
	s9 =	sld [smem:$0x3FAF]  }
0x2f: {  	lr =	sadd.s32 s0, s3;
	s0 =	sld [smem:$0x3FA6]  }
0x30: {  	s3 =	sld [smem:$0x3FA9]  }
0x31: {  	[smem:$0x3FB2] =	sst s10  }
0x32: {  	s10 =	sld [smem:$0x3FB0];
	_ =	sdelay $0x3  }
0x33: {  	p0 =	seq.s32 s10, $0x1;
	s10 =	sld [smem:$0x3FB2];
	_ =	sdelay $0x3  }
0x34: {  	[smem:$0x3FB2] =	sst s10  }
0x35: {  	s10 =	sld [smem:$0x3FB1];
	_ =	sdelay $0x3  }
0x36: {  	p1 =	seq.s32 s10, $0x1;
	s10 =	sld [smem:$0x3FB2];
	_ =	sdelay $0x3  }
0x37: {  	[smem:$0x3FB2] =	sst s10  }
0x38: {  	s10 =	sld [smem:$0x3FB3]  }
0x39: {  	_ = 	snop;
	(pc) =	sbr.ind lr, $3  }
0x3a: {  	_ = 	snop  }
0x3b: {  	_ = 	snop  }
0x3c: {  	p2 =	seq.s32 s10, $0x1;
	s10 =	sld [smem:$0x3FB2]  }
0x3d: {  	_ =	shalt  }
0x3e: {  	_ =	shalt  }
0x3f: {  	_ =	shalt  }
0x40: {  	_ =	shalt  }
0x41: {  	_ =	shalt  }
0x42: {  	_ =	shalt  }
0x43: {  	_ =	shalt  }
0x44: {  	_ =	shalt  }
0x45: {  	_ =	shalt  }
0x46: {  	_ =	shalt  }
0x47: {  	_ =	shalt  }
0x48: {  	_ =	shalt  }
0x49: {  	_ =	shalt  }
0x4a: {  	_ =	shalt  }
0x4b: {  	_ =	shalt  }
0x4c: {  	_ =	shalt  }
0x4d: {  	_ =	shalt  }
0x4e: {  	_ =	shalt  }
0x4f: {  	_ =	shalt  }
0x50: {  	_ =	shalt  }
0x51: {  	_ =	shalt  }
0x52: {  	_ =	shalt  }
0x53: {  	_ =	shalt  }
0x54: {  	_ =	shalt  }
0x55: {  	_ =	shalt  }
0x56: {  	_ =	shalt  }
0x57: {  	_ =	shalt  }
0x58: {  	_ =	shalt  }
0x59: {  	_ =	shalt  }
0x5a: {  	_ =	shalt  }
0x5b: {  	_ =	shalt  }
0x5c: {  	_ =	shalt  }
0x5d: {  	_ =	shalt  }
0x5e: {  	_ =	shalt  }
0x5f: {  	_ =	shalt  }
0x60: {  	_ =	shalt  }
0x61: {  	_ =	shalt  }
0x62: {  	_ =	shalt  }
0x63: {  	_ =	shalt  }
0x64: {  	_ =	shalt  }
0x65: {  	_ =	shalt  }
0x66: {  	_ =	shalt  }
0x67: {  	_ =	shalt  }
0x68: {  	_ =	shalt  }
0x69: {  	_ =	shalt  }
0x6a: {  	_ =	shalt  }
0x6b: {  	_ =	shalt  }
0x6c: {  	_ =	shalt  }
0x6d: {  	_ =	shalt  }
0x6e: {  	_ =	shalt  }
0x6f: {  	_ =	shalt  }
0x70: {  	_ =	shalt  }
0x71: {  	_ =	shalt  }
0x72: {  	_ =	shalt  }
0x73: {  	_ =	shalt  }
0x74: {  	_ =	shalt  }
0x75: {  	_ =	shalt  }
0x76: {  	_ =	shalt  }
0x77: {  	_ =	shalt  }
0x78: {  	_ =	shalt  }
0x79: {  	_ =	shalt  }
0x7a: {  	_ =	shalt  }
0x7b: {  	_ =	shalt  }
0x7c: {  	_ =	shalt  }
0x7d: {  	_ =	shalt  }
0x7e: {  	_ =	shalt  }
0x7f: {  	_ =	shalt  }
0x80: {  	_ =	shalt  }
0x81: {  	_ =	shalt  }
0x82: {  	_ =	shalt  }
0x83: {  	_ =	shalt  }
0x84: {  	_ =	shalt  }
0x85: {  	_ =	shalt  }
0x86: {  	_ =	shalt  }
0x87: {  	_ =	shalt  }
.Lfunc_end0:
.L_simem_size_0:
called_computation_lowered:
.L_overlay_start_0:
0x88: {  	s2 =	sld [smem:$0x3FD9]  }
0x89: {  	s3 =	sld [smem:$0x3FFE];
	_ =	sdelay $0x1  }
0x8a: {  	s1 =	srdreg.scid  }
0x8b: {  	s0 =	sand.u32 $0x1, s1  }
0x8c: {  	s17 =	sshll.u32 s0, $0xA;
	s2 =	sadd.s32 s3, s2  }
0x8d: {  	s2 =	sadd.s32 s2, s17  }
0x8e: {  	[smem:$0x3FBE] =	sst s2  }
0x8f: {  	_ = 	snop  }
0x90: {  	s2 =	sld [smem:$0x3FD0];
	(tm) =	ssettm $0x1  }
0x91: {  	s18 =	sld [smem:$0x3FFB];
	_ =	sdelay $0x3  }
0x92: {  	_ =	strace s18  }
0x93: {  	s3 =	sld [smem:$0x3FFC];
	_ =	sdelay $0x3  }
0x94: {  	_ =	strace s3  }
0x95: {  	s3 =	sld [smem:$0x3FFD];
	_ =	sdelay $0x3  }
0x96: {  	_ =	strace s3  }
0x97: {  	_ =	strace $0x8FFFFFFF  }
0x98: {  	s19 =	sld [smem:$0x3FDB];
	_ =	sdelay $0x1  }
0x99: {  	s4 =	simm.s32 $_scs_section_size  }
0x9a: {  	s5 =	simm.s32 $_size__tile_overlayer_lowered;
	s6 =	simm.s32 $_tile_overlayer_lowered  }
0x9b: {  	s22 =	simm.s32 $0x1BFF;
	s21 =	sshll.u32 s6, $0x1;
	s3 =	sadd.s32 s4, s19  }
0x9c: {  	s7 =	simm.s32 $0x0;
	s20 =	sshll.u32 s5, $0x1;
	s5 =	sadd.s32 s21, s3  }
0x9d: {  	[timem:s7], [sflag:s22] =	dma.local [hbm:s5], s20  }
0x9e: {  	_ =	swait.ge [sflag:s22], s20  }
0x9f: {  	s4 =	ssub.s32 $0x0, s20;
	[sflag:s22] =	ssyncset.done $0x0  }
0xa0: {  	[sflag:s22] =	ssyncadd.s32 s4;
	_ =	sdelay $0x1  }
0xa1: {  	s23 =	simm.s32 $0x1B8B  }
0xa2: {  	_ =	swait.ge [sflag:s23], $0x1  }
0xa3: {  	[sflag:s23] =	ssyncset.done $0x0  }
0xa4: {  	s25 =	simm.s32 $0x1B8E;
	s24 =	sld [smem:$0x3FFE];
	[sflag:s23] =	ssyncadd.s32 $0xFFFFFFFF  }
0xa5: {  	s26 =	simm.s32 $execute0_lowered;
	[smem:$0x3FD2] =	sst s25  }
0xa6: {  	s5 =	sshll.u32 s26, $0x1;
	_ =	strace $0x80000046;
	[dreg:$0x1] =	wrdreg $0xFFFFFFFF  }
0xa7: {  	s28 =	simm.s32 $_size_execute0_lowered;
	s3 =	sadd.s32 s3, s5;
	[dreg:$0x0] =	wrdreg $0x0  }
0xa8: {  	s5 =	sshll.u32 s28, $0x1;
	[dreg:$0x2] =	wrdreg s3  }
0xa9: {  	[dreg:$0x3] =	wrdreg s5  }
0xaa: {  	[dreg:$0x4] =	wrdreg $0xC0  }
0xab: {  	_ =	task [dreg:s7], $0x5FFFF  }
0xac: {  	[dreg:$0x1] =	wrdreg $0xFFFFFFFF  }
0xad: {  	[dreg:$0x0] =	wrdreg $0x60  }
0xae: {  	[dreg:$0x2] =	wrdreg s2  }
0xaf: {  	[dreg:$0x3] =	wrdreg s24  }
0xb0: {  	[dreg:$0x4] =	wrdreg $0x9  }
0xb1: {  	_ =	task.clear_ibuf [dreg:s7], $0x5FFFF;
	_ =	strace $0x90000046  }
0xb2: {  	s29 =	simm.s32 $0x9;
	_ =	strace $0x80000048  }
0xb3: {  	_ =	swait.ge [sflag:s29], $0x1  }
0xb4: {  	[sflag:s29] =	ssyncadd.s32 $0xFFFFFFFF  }
0xb5: {  	_ =	strace $0x90000048  }
0xb6: {  	_ =	sfence  }
0xb7: {  	s30 =	sld [smem:$0x0];
	_ =	sdelay $0x2  }
0xb8: {  	s31 =	sshll.u32 s1, $0xD;
	s1 =	sshrl.u32 s1, $0x2  }
0xb9: {  	s3 =	sand.u32 $0x4000, s31;
	s1 =	sadd.s32 s1, s30  }
0xba: {  	s0 =	sor.u32 s3, s0;
	s1 =	sshll.u32 s1, $0x11  }
0xbb: {  	s0 =	sor.u32 s1, s0  }
0xbc: {  	s0 =	sadd.s32 $0x8F2B, s0  }
0xbd: {  	[sflag:s0] =	ssyncadd.remote.s32 $0x1  }
0xbe: {  	_ =	sfence.sel $0xFFFF  }
0xbf: {  	[dreg:$0x0] =	wrdreg $0xFFFFFFFF;
	(pc) =	sbr.abs _section_cstart, $3  }
0xc0: {  	[dreg:$0x1] =	wrdreg $0xFFFFFFFF  }
0xc1: {  	_ =	task.clear_ibuf [dreg:s7], $0x2FFFF;
	_ =	strace $0x9FFFFFFF  }
0xc2: {  	(tm) =	ssettm $0x7FFFFFFF  }
0xc3: {  	_ =	shalt  }
tec
execute0_lowered:
.L_overlay_start_1:
0x0: {  	(tag) =	ssettag $0x1  }
0x1: {  	s1 =	rddreg [dreg:$0x0]  }
0x2: {  	s0 =	rddreg [dreg:$0x1];
	s2 =	srdreg.scid  }
0x3: {  	s3 =	simm.s32 $0x0;
	s6 =	stileid.u32;
	s9 =	simm.s32 $0x2000  }
0x4: {  	s22 =	simm.s32 $0x8800;
	s28 =	simm.s32 $0xA800;
	s29 =	simm.s32 $0xB000  }
0x5: {  	s30 =	simm.s32 $0xB800;
	s31 =	simm.s32 $0xC000;
	s8 =	simm.s32 $0xE800  }
0x6: {  	s10 =	simm.s32 $0xF000;
	s11 =	simm.s32 $0xF800;
	s12 =	simm.s32 $0x10000  }
0x7: {  	s13 =	simm.s32 $0x10800;
	s14 =	simm.s32 $0x11000;
	s15 =	simm.s32 $0x11800  }
0x8: {  	s16 =	simm.s32 $0x2;
	s17 =	simm.s32 $0x3;
	s20 =	simm.s32 $0x0  }
0x9: {  	s2 =	sand.u32 $0x1, s2;
	[smem:$0x7FF] =	sst s3;
	s4 =	sshll.u32 s6, $0xE  }
0xa: {  	s23 =	sshll.u32 s6, $0x14;
	s5 =	sshll.u32 s2, $0xD;
	_ =	strace $0x80000047  }
0xb: {  	s24 =	ssub.s32 $0x2, s2;
	s2 =	sshll.u32 s2, $0x13;
	s4 =	sor.u32 s5, s4  }
0xc: {  	s25 =	sshrl.u32 s24, $0x1;
	s5 =	sadd.s32 $0x100, s1;
	s4 =	sshrl.u32 s4, $0x3  }
0xd: {  	s6 =	ssub.s32 s24, s25;
	s24 =	simm.s32 $0x9800;
	s25 =	simm.s32 $0x1  }
.Ltmp0:
0xe: {  	s4 =	sadd.s32 s4, s0;
	s0 =	sadd.s32 s23, s0;
	(pc) =	sbr.rel .LBB2_1-.Ltmp0, $4  }
0xf: {  	s26 =	smax.u32 s6, $0x1;
	s23 =	simm.s32 $0x9000;
	s6 =	simm.s32 $0xE000  }
0x10: {  	v2 =	vlaneseq.u32;
	s4 =	sadd.s32 $0x1A00, s4;
	[dreg:$0x4] =	wrdreg s26;
	s0 =	sadd.s32 s2, s0  }
0x11: {  	vm0 =	vmmov $0xffff;
	v1 =	vshrl.u32 v2, $0x3;
	s26 =	simm.s32 $0xA000;
	s2 =	simm.s32 $0xD000;
	[dreg:$0x3] =	wrdreg s4  }
0x12: {  	v0 =	vand.u32 $0x7, v2;
	v2 =	vor.u32 $0x8, v2;
	v1 =	vmul.u32 $0x8, v1;
	s7 =	sadd.s32 $0x109A00, s0;
	s0 =	simm.s32 $0xC800;
	s4 =	simm.s32 $0xD800  }
.LBB2_5:
0x13: {  	s19 =	simm.s32 $0x4  }
0x14: {  	_ =	swait.ge [sflag:s19], $0x8000  }
0x15: {  	s20 =	rddreg [dreg:$0x5]  }
0x16: {  	s18 =	rddreg [dreg:$0x4];
	s20 =	sadd.s32 $0x1, s20  }
0x17: {  	p0 =	sne.s32 s20, s18  }
.Ltmp1:
0x18: {  	_ = 	snop;
	(pc) =	sbr.rel @!p0 .LBB2_6-.Ltmp1, $3  }
0x19: {  	_ =	sdelay $0x1  }
0x1a: {  	[sflag:s19] =	ssyncset.done $0x0  }
0x1b: {  	[sflag:s19] =	ssyncadd.s32 $0xFFFF8000  }
.LBB2_1:
0x1c: {  	[dreg:$0x5] =	wrdreg s20  }
0x1d: {  	s18 =	rddreg [dreg:$0x3];
	s21 =	simm.s32 $0x5  }
0x1e: {  	[tilespmem:s3], [sflag:$0x5] =	stream.linear.gather [hbm4b:s18+s3], $0x2000, $0x38;
	[tilespmem:$0x12000] =	vst v63  }
0x1f: {  	_ =	swait.ge [sflag:s21], $0x2000  }
0x20: {  	[sflag:s21] =	ssyncset.done $0x0  }
0x21: {  	[sflag:s21] =	ssyncadd.s32 $0xFFFFE000  }
0x22: {  	v3 =	vld [tilespmem:$0x0];
	_ =	sdelay $0x4  }
0x23: {  	v4 =	vshll.u32 v3, $0x2  }
0x24: {  	v3 =	vand.u32 $0x7, v3;
	v4 =	vand.u32 $0xFFFFFFE0, v4  }
0x25: {  	v3 =	vor.u32 v3, v4  }
0x26: {  	v4 =	vperm.xlane v3, v0;
	_ =	sdelay $0x1  }
0x27: {  	v4 =	vadd.s32 v1, v4;
	_ =	sdelay $0x1  }
0x28: {  	v3 =	vperm.xlane v3, v2;
	_ =	sdelay $0x1  }
0x29: {  	v3 =	vadd.s32 v1, v3  }
0x2a: {  	[tilespmem:s9], [sflag:$0x1] =	stream.indirect_vreg.gather [hbm4b:s1+s3], $0x80, v4, vm0, $0xb8;
	[tilespmem:$0x12000] =	vst v63  }
0x2b: {  	s19 =	simm.s32 $0x2800  }
0x2c: {  	[tilespmem:s19], [sflag:$0x1] =	stream.indirect_vreg.gather [hbm4b:s5+s3], $0x80, v4, vm0, $0xb8;
	[tilespmem:$0x12000] =	vst v63  }
0x2d: {  	s20 =	simm.s32 $0x3000  }
0x2e: {  	[tilespmem:s20], [sflag:$0x1] =	stream.indirect_vreg.gather [hbm4b:s1+s3], $0x80, v3, vm0, $0xb8;
	[tilespmem:$0x12000] =	vst v63  }
0x2f: {  	s21 =	simm.s32 $0x3800  }
0x30: {  	[tilespmem:s21], [sflag:$0x1] =	stream.indirect_vreg.gather [hbm4b:s5+s3], $0x80, v3, vm0, $0xb8;
	[tilespmem:$0x12000] =	vst v63  }
0x31: {  	v3 =	vld [tilespmem:$0x10];
	_ =	sdelay $0x4  }
0x32: {  	v61 =	vshll.u32 v3, $0x2  }
0x33: {  	v3 =	vand.u32 $0x7, v3;
	v4 =	vand.u32 $0xFFFFFFE0, v61  }
0x34: {  	v3 =	vor.u32 v3, v4  }
0x35: {  	v4 =	vperm.xlane v3, v0;
	_ =	sdelay $0x1  }
0x36: {  	v4 =	vadd.s32 v1, v4;
	_ =	sdelay $0x1  }
0x37: {  	v3 =	vperm.xlane v3, v2;
	_ =	sdelay $0x1  }
0x38: {  	s19 =	simm.s32 $0x4000;
	v3 =	vadd.s32 v1, v3  }
0x39: {  	[tilespmem:s19], [sflag:$0x1] =	stream.indirect_vreg.gather [hbm4b:s1+s3], $0x80, v4, vm0, $0xb8;
	[tilespmem:$0x12000] =	vst v63  }
0x3a: {  	s20 =	simm.s32 $0x4800  }
0x3b: {  	[tilespmem:s20], [sflag:$0x1] =	stream.indirect_vreg.gather [hbm4b:s5+s3], $0x80, v4, vm0, $0xb8;
	[tilespmem:$0x12000] =	vst v63  }
0x3c: {  	s21 =	simm.s32 $0x5000  }
0x3d: {  	[tilespmem:s21], [sflag:$0x1] =	stream.indirect_vreg.gather [hbm4b:s1+s3], $0x80, v3, vm0, $0xb8;
	[tilespmem:$0x12000] =	vst v63  }
0x3e: {  	s19 =	simm.s32 $0x5800  }
0x3f: {  	[tilespmem:s19], [sflag:$0x1] =	stream.indirect_vreg.gather [hbm4b:s5+s3], $0x80, v3, vm0, $0xb8;
	[tilespmem:$0x12000] =	vst v63  }
0x40: {  	v3 =	vld [tilespmem:$0x20];
	_ =	sdelay $0x4  }
0x41: {  	v62 =	vshll.u32 v3, $0x2  }
0x42: {  	v3 =	vand.u32 $0x7, v3;
	v4 =	vand.u32 $0xFFFFFFE0, v62  }
0x43: {  	v3 =	vor.u32 v3, v4  }
0x44: {  	v4 =	vperm.xlane v3, v0;
	_ =	sdelay $0x1  }
0x45: {  	v4 =	vadd.s32 v1, v4;
	_ =	sdelay $0x1  }
0x46: {  	v3 =	vperm.xlane v3, v2;
	_ =	sdelay $0x1  }
0x47: {  	s20 =	simm.s32 $0x6000;
	v3 =	vadd.s32 v1, v3  }
0x48: {  	[tilespmem:s20], [sflag:$0x1] =	stream.indirect_vreg.gather [hbm4b:s1+s3], $0x80, v4, vm0, $0xb8;
	[tilespmem:$0x12000] =	vst v63  }
0x49: {  	s21 =	simm.s32 $0x6800  }
0x4a: {  	[tilespmem:s21], [sflag:$0x1] =	stream.indirect_vreg.gather [hbm4b:s5+s3], $0x80, v4, vm0, $0xb8;
	[tilespmem:$0x12000] =	vst v63  }
0x4b: {  	s19 =	simm.s32 $0x7000  }
0x4c: {  	[tilespmem:s19], [sflag:$0x1] =	stream.indirect_vreg.gather [hbm4b:s1+s3], $0x80, v3, vm0, $0xb8;
	[tilespmem:$0x12000] =	vst v63  }
0x4d: {  	s20 =	simm.s32 $0x7800  }
0x4e: {  	[tilespmem:s20], [sflag:$0x1] =	stream.indirect_vreg.gather [hbm4b:s5+s3], $0x80, v3, vm0, $0xb8;
	[tilespmem:$0x12000] =	vst v63  }
0x4f: {  	v3 =	vld [tilespmem:$0x30];
	_ =	sdelay $0x4  }
0x50: {  	v63 =	vshll.u32 v3, $0x2  }
0x51: {  	v3 =	vand.u32 $0x7, v3;
	v4 =	vand.u32 $0xFFFFFFE0, v63  }
0x52: {  	v3 =	vor.u32 v3, v4  }
0x53: {  	v4 =	vperm.xlane v3, v0;
	_ =	sdelay $0x1  }
0x54: {  	v4 =	vadd.s32 v1, v4;
	_ =	sdelay $0x2  }
0x55: {  	v3 =	vperm.xlane v3, v2  }
0x56: {  	s21 =	simm.s32 $0x8000  }
0x57: {  	v3 =	vadd.s32 v1, v3;
	[tilespmem:s21], [sflag:$0x1] =	stream.indirect_vreg.gather [hbm4b:s1+s3], $0x80, v4, vm0, $0xb8;
	[tilespmem:$0x12000] =	vst v63  }
0x58: {  	_ = 	snop  }
0x59: {  	[tilespmem:s22], [sflag:$0x1] =	stream.indirect_vreg.gather [hbm4b:s5+s3], $0x80, v4, vm0, $0xb8;
	[tilespmem:$0x12000] =	vst v63  }
.Ltmp2:
0x5a: {  	_ = 	snop;
	(pc) =	sbr.rel .LBB2_2-.Ltmp2, $4  }
0x5b: {  	_ = 	snop  }
0x5c: {  	[tilespmem:s23], [sflag:$0x1] =	stream.indirect_vreg.gather [hbm4b:s1+s3], $0x80, v3, vm0, $0xb8;
	[tilespmem:$0x12000] =	vst v63  }
0x5d: {  	s18 =	simm.s32 $0x60;
	s19 =	simm.s32 $0x0  }
0x5e: {  	[tilespmem:s24], [sflag:$0x1] =	stream.indirect_vreg.gather [hbm4b:s5+s3], $0x80, v3, vm0, $0xb8;
	[tilespmem:$0x12000] =	vst v63  }
.LBB2_4:
0x5f: {  	s19 =	sadd.s32 $0x2000, s19  }
0x60: {  	p0 =	sne.s32 s19, $0x80000  }
.Ltmp3:
0x61: {  	_ = 	snop;
	(pc) =	sbr.rel @!p0 .LBB2_5-.Ltmp3, $3  }
0x62: {  	_ =	sdelay $0x1  }
0x63: {  	s20 =	sadd.s32 $0x1000, s20;
	s18 =	sadd.s32 $0x80, s18  }
0x64: {  	[hbm4b:s20+s3] =	stream.linear.scatter [tilespmem:s26], [sflag:$0x4], $0x8000, $0x38;
	[tilespmem:$0x12000] =	vst v63  }
.LBB2_2:
0x65: {  	_ =	swait.ge [sflag:s25], $0x8000  }
0x66: {  	p0 =	seq.s32 s19, $0x0;
	[sflag:s25] =	ssyncset.done $0x0  }
0x67: {  	s20 =	simm.s32 @!p0 $0x4;
	[sflag:s25] =	ssyncadd.s32 $0xFFFF8000  }
0x68: {  	_ =	swait.ge @!p0 [sflag:s20], $0x8000  }
0x69: {  	[sflag:s20] =	ssyncset.done @!p0 $0x0  }
0x6a: {  	[sflag:s20] =	ssyncadd.s32 @!p0 $0xFFFF8000  }
0x6b: {  	v3 =	vld [tilespmem:s18+$0xFFFFFFE0];
	_ =	sdelay $0x4  }
0x6c: {  	v4 =	vshll.u32 v3, $0x2  }
0x6d: {  	v3 =	vand.u32 $0x7, v3;
	v4 =	vand.u32 $0xFFFFFFE0, v4  }
0x6e: {  	v3 =	vor.u32 v3, v4  }
0x6f: {  	v4 =	vperm.xlane v3, v0;
	_ =	sdelay $0x1  }
0x70: {  	v4 =	vadd.s32 v1, v4;
	_ =	sdelay $0x1  }
0x71: {  	v3 =	vperm.xlane v3, v2;
	_ =	sdelay $0x1  }
0x72: {  	v3 =	vadd.s32 v1, v3  }
0x73: {  	[tilespmem:s26], [sflag:$0x2] =	stream.indirect_vreg.gather [hbm4b:s1+s3], $0x80, v4, vm0, $0xb8;
	[tilespmem:$0x12000] =	vst v63  }
0x74: {  	_ = 	snop  }
0x75: {  	[tilespmem:s28], [sflag:$0x2] =	stream.indirect_vreg.gather [hbm4b:s5+s3], $0x80, v4, vm0, $0xb8;
	[tilespmem:$0x12000] =	vst v63  }
0x76: {  	_ = 	snop  }
0x77: {  	[tilespmem:s29], [sflag:$0x2] =	stream.indirect_vreg.gather [hbm4b:s1+s3], $0x80, v3, vm0, $0xb8;
	[tilespmem:$0x12000] =	vst v63  }
0x78: {  	_ = 	snop  }
0x79: {  	[tilespmem:s30], [sflag:$0x2] =	stream.indirect_vreg.gather [hbm4b:s5+s3], $0x80, v3, vm0, $0xb8;
	[tilespmem:$0x12000] =	vst v63  }
0x7a: {  	v3 =	vld [tilespmem:s18+$0xFFFFFFF0];
	_ =	sdelay $0x4  }
0x7b: {  	v61 =	vshll.u32 v3, $0x2  }
0x7c: {  	v3 =	vand.u32 $0x7, v3;
	v4 =	vand.u32 $0xFFFFFFE0, v61  }
0x7d: {  	v3 =	vor.u32 v3, v4  }
0x7e: {  	v4 =	vperm.xlane v3, v0;
	_ =	sdelay $0x1  }
0x7f: {  	v4 =	vadd.s32 v1, v4;
	_ =	sdelay $0x1  }
0x80: {  	v3 =	vperm.xlane v3, v2;
	_ =	sdelay $0x1  }
0x81: {  	v3 =	vadd.s32 v1, v3  }
0x82: {  	[tilespmem:s31], [sflag:$0x2] =	stream.indirect_vreg.gather [hbm4b:s1+s3], $0x80, v4, vm0, $0xb8;
	[tilespmem:$0x12000] =	vst v63  }
0x83: {  	_ = 	snop  }
0x84: {  	[tilespmem:s0], [sflag:$0x2] =	stream.indirect_vreg.gather [hbm4b:s5+s3], $0x80, v4, vm0, $0xb8;
	[tilespmem:$0x12000] =	vst v63  }
0x85: {  	_ = 	snop  }
0x86: {  	[tilespmem:s2], [sflag:$0x2] =	stream.indirect_vreg.gather [hbm4b:s1+s3], $0x80, v3, vm0, $0xb8;
	[tilespmem:$0x12000] =	vst v63  }
0x87: {  	_ = 	snop  }
0x88: {  	[tilespmem:s4], [sflag:$0x2] =	stream.indirect_vreg.gather [hbm4b:s5+s3], $0x80, v3, vm0, $0xb8;
	[tilespmem:$0x12000] =	vst v63  }
0x89: {  	v3 =	vld [tilespmem:s18+$0x0];
	_ =	sdelay $0x4  }
0x8a: {  	v62 =	vshll.u32 v3, $0x2  }
0x8b: {  	v3 =	vand.u32 $0x7, v3;
	v4 =	vand.u32 $0xFFFFFFE0, v62  }
0x8c: {  	v3 =	vor.u32 v3, v4  }
0x8d: {  	v4 =	vperm.xlane v3, v0;
	_ =	sdelay $0x1  }
0x8e: {  	v4 =	vadd.s32 v1, v4;
	_ =	sdelay $0x1  }
0x8f: {  	v3 =	vperm.xlane v3, v2;
	_ =	sdelay $0x1  }
0x90: {  	v3 =	vadd.s32 v1, v3  }
0x91: {  	[tilespmem:s6], [sflag:$0x2] =	stream.indirect_vreg.gather [hbm4b:s1+s3], $0x80, v4, vm0, $0xb8;
	[tilespmem:$0x12000] =	vst v63  }
0x92: {  	_ = 	snop  }
0x93: {  	[tilespmem:s8], [sflag:$0x2] =	stream.indirect_vreg.gather [hbm4b:s5+s3], $0x80, v4, vm0, $0xb8;
	[tilespmem:$0x12000] =	vst v63  }
0x94: {  	_ = 	snop  }
0x95: {  	[tilespmem:s10], [sflag:$0x2] =	stream.indirect_vreg.gather [hbm4b:s1+s3], $0x80, v3, vm0, $0xb8;
	[tilespmem:$0x12000] =	vst v63  }
0x96: {  	_ = 	snop  }
0x97: {  	[tilespmem:s11], [sflag:$0x2] =	stream.indirect_vreg.gather [hbm4b:s5+s3], $0x80, v3, vm0, $0xb8;
	[tilespmem:$0x12000] =	vst v63  }
0x98: {  	v3 =	vld [tilespmem:s18+$0x10];
	_ =	sdelay $0x4  }
0x99: {  	v63 =	vshll.u32 v3, $0x2  }
0x9a: {  	v3 =	vand.u32 $0x7, v3;
	v4 =	vand.u32 $0xFFFFFFE0, v63  }
0x9b: {  	v3 =	vor.u32 v3, v4  }
0x9c: {  	v4 =	vperm.xlane v3, v0;
	_ =	sdelay $0x1  }
0x9d: {  	v4 =	vadd.s32 v1, v4;
	_ =	sdelay $0x1  }
0x9e: {  	v3 =	vperm.xlane v3, v2;
	_ =	sdelay $0x1  }
0x9f: {  	v3 =	vadd.s32 v1, v3  }
0xa0: {  	[tilespmem:s12], [sflag:$0x2] =	stream.indirect_vreg.gather [hbm4b:s1+s3], $0x80, v4, vm0, $0xb8;
	[tilespmem:$0x12000] =	vst v63  }
0xa1: {  	_ = 	snop  }
0xa2: {  	[tilespmem:s13], [sflag:$0x2] =	stream.indirect_vreg.gather [hbm4b:s5+s3], $0x80, v4, vm0, $0xb8;
	[tilespmem:$0x12000] =	vst v63  }
0xa3: {  	_ = 	snop  }
0xa4: {  	[tilespmem:s14], [sflag:$0x2] =	stream.indirect_vreg.gather [hbm4b:s1+s3], $0x80, v3, vm0, $0xb8;
	[tilespmem:$0x12000] =	vst v63  }
0xa5: {  	_ = 	snop  }
0xa6: {  	[tilespmem:s15], [sflag:$0x2] =	stream.indirect_vreg.gather [hbm4b:s5+s3], $0x80, v3, vm0, $0xb8;
	[tilespmem:$0x12000] =	vst v63  }
0xa7: {  	s20 =	sadd.s32 s19, s7  }
0xa8: {  	[hbm4b:s20+s3] =	stream.linear.scatter [tilespmem:s9], [sflag:$0x3], $0x8000, $0x38;
	[tilespmem:$0x12000] =	vst v63  }
0xa9: {  	p0 =	seq.s32 s19, $0x7E000;
	_ =	swait.ge [sflag:s16], $0x8000  }
.Ltmp4:
0xaa: {  	[sflag:s16] =	ssyncset.done $0x0;
	(pc) =	sbr.rel @p0 .LBB2_4-.Ltmp4, $4  }
0xab: {  	[sflag:s16] =	ssyncadd.s32 $0xFFFF8000  }
0xac: {  	_ =	swait.ge [sflag:s17], $0x8000  }
0xad: {  	[sflag:s17] =	ssyncset.done $0x0  }
0xae: {  	[sflag:s17] =	ssyncadd.s32 $0xFFFF8000  }
0xaf: {  	v3 =	vld [tilespmem:s18+$0x20];
	_ =	sdelay $0x4  }
0xb0: {  	v4 =	vshll.u32 v3, $0x2  }
0xb1: {  	v3 =	vand.u32 $0x7, v3;
	v4 =	vand.u32 $0xFFFFFFE0, v4  }
0xb2: {  	v3 =	vor.u32 v3, v4  }
0xb3: {  	v4 =	vperm.xlane v3, v0;
	_ =	sdelay $0x1  }
0xb4: {  	v4 =	vadd.s32 v1, v4;
	_ =	sdelay $0x1  }
0xb5: {  	v3 =	vperm.xlane v3, v2;
	_ =	sdelay $0x1  }
0xb6: {  	v3 =	vadd.s32 v1, v3  }
0xb7: {  	[tilespmem:s9], [sflag:$0x1] =	stream.indirect_vreg.gather [hbm4b:s1+s3], $0x80, v4, vm0, $0xb8;
	[tilespmem:$0x12000] =	vst v63  }
0xb8: {  	s21 =	simm.s32 $0x2800  }
0xb9: {  	[tilespmem:s21], [sflag:$0x1] =	stream.indirect_vreg.gather [hbm4b:s5+s3], $0x80, v4, vm0, $0xb8;
	[tilespmem:$0x12000] =	vst v63  }
0xba: {  	s21 =	simm.s32 $0x3000  }
0xbb: {  	[tilespmem:s21], [sflag:$0x1] =	stream.indirect_vreg.gather [hbm4b:s1+s3], $0x80, v3, vm0, $0xb8;
	[tilespmem:$0x12000] =	vst v63  }
0xbc: {  	s21 =	simm.s32 $0x3800  }
0xbd: {  	[tilespmem:s21], [sflag:$0x1] =	stream.indirect_vreg.gather [hbm4b:s5+s3], $0x80, v3, vm0, $0xb8;
	[tilespmem:$0x12000] =	vst v63  }
0xbe: {  	v3 =	vld [tilespmem:s18+$0x30];
	_ =	sdelay $0x4  }
0xbf: {  	v61 =	vshll.u32 v3, $0x2  }
0xc0: {  	v3 =	vand.u32 $0x7, v3;
	v4 =	vand.u32 $0xFFFFFFE0, v61  }
0xc1: {  	v3 =	vor.u32 v3, v4  }
0xc2: {  	v4 =	vperm.xlane v3, v0;
	_ =	sdelay $0x1  }
0xc3: {  	v4 =	vadd.s32 v1, v4;
	_ =	sdelay $0x1  }
0xc4: {  	v3 =	vperm.xlane v3, v2;
	_ =	sdelay $0x1  }
0xc5: {  	s21 =	simm.s32 $0x4000;
	v3 =	vadd.s32 v1, v3  }
0xc6: {  	[tilespmem:s21], [sflag:$0x1] =	stream.indirect_vreg.gather [hbm4b:s1+s3], $0x80, v4, vm0, $0xb8;
	[tilespmem:$0x12000] =	vst v63  }
0xc7: {  	s21 =	simm.s32 $0x4800  }
0xc8: {  	[tilespmem:s21], [sflag:$0x1] =	stream.indirect_vreg.gather [hbm4b:s5+s3], $0x80, v4, vm0, $0xb8;
	[tilespmem:$0x12000] =	vst v63  }
0xc9: {  	s21 =	simm.s32 $0x5000  }
0xca: {  	[tilespmem:s21], [sflag:$0x1] =	stream.indirect_vreg.gather [hbm4b:s1+s3], $0x80, v3, vm0, $0xb8;
	[tilespmem:$0x12000] =	vst v63  }
0xcb: {  	s21 =	simm.s32 $0x5800  }
0xcc: {  	[tilespmem:s21], [sflag:$0x1] =	stream.indirect_vreg.gather [hbm4b:s5+s3], $0x80, v3, vm0, $0xb8;
	[tilespmem:$0x12000] =	vst v63  }
0xcd: {  	v3 =	vld [tilespmem:s18+$0x40];
	_ =	sdelay $0x4  }
0xce: {  	v62 =	vshll.u32 v3, $0x2  }
0xcf: {  	v3 =	vand.u32 $0x7, v3;
	v4 =	vand.u32 $0xFFFFFFE0, v62  }
0xd0: {  	v3 =	vor.u32 v3, v4  }
0xd1: {  	v4 =	vperm.xlane v3, v0;
	_ =	sdelay $0x1  }
0xd2: {  	v4 =	vadd.s32 v1, v4;
	_ =	sdelay $0x1  }
0xd3: {  	v3 =	vperm.xlane v3, v2;
	_ =	sdelay $0x1  }
0xd4: {  	s21 =	simm.s32 $0x6000;
	v3 =	vadd.s32 v1, v3  }
0xd5: {  	[tilespmem:s21], [sflag:$0x1] =	stream.indirect_vreg.gather [hbm4b:s1+s3], $0x80, v4, vm0, $0xb8;
	[tilespmem:$0x12000] =	vst v63  }
0xd6: {  	s21 =	simm.s32 $0x6800  }
0xd7: {  	[tilespmem:s21], [sflag:$0x1] =	stream.indirect_vreg.gather [hbm4b:s5+s3], $0x80, v4, vm0, $0xb8;
	[tilespmem:$0x12000] =	vst v63  }
0xd8: {  	s21 =	simm.s32 $0x7000  }
0xd9: {  	[tilespmem:s21], [sflag:$0x1] =	stream.indirect_vreg.gather [hbm4b:s1+s3], $0x80, v3, vm0, $0xb8;
	[tilespmem:$0x12000] =	vst v63  }
0xda: {  	s21 =	simm.s32 $0x7800  }
0xdb: {  	[tilespmem:s21], [sflag:$0x1] =	stream.indirect_vreg.gather [hbm4b:s5+s3], $0x80, v3, vm0, $0xb8;
	[tilespmem:$0x12000] =	vst v63  }
0xdc: {  	v3 =	vld [tilespmem:s18+$0x50];
	_ =	sdelay $0x4  }
0xdd: {  	v63 =	vshll.u32 v3, $0x2  }
0xde: {  	v3 =	vand.u32 $0x7, v3;
	v4 =	vand.u32 $0xFFFFFFE0, v63  }
0xdf: {  	v3 =	vor.u32 v3, v4  }
0xe0: {  	v4 =	vperm.xlane v3, v0;
	_ =	sdelay $0x1  }
0xe1: {  	v4 =	vadd.s32 v1, v4;
	_ =	sdelay $0x2  }
0xe2: {  	v3 =	vperm.xlane v3, v2  }
0xe3: {  	s21 =	simm.s32 $0x8000  }
0xe4: {  	v3 =	vadd.s32 v1, v3;
	[tilespmem:s21], [sflag:$0x1] =	stream.indirect_vreg.gather [hbm4b:s1+s3], $0x80, v4, vm0, $0xb8;
	[tilespmem:$0x12000] =	vst v63  }
0xe5: {  	_ = 	snop  }
0xe6: {  	[tilespmem:s22], [sflag:$0x1] =	stream.indirect_vreg.gather [hbm4b:s5+s3], $0x80, v4, vm0, $0xb8;
	[tilespmem:$0x12000] =	vst v63  }
.Ltmp5:
0xe7: {  	_ = 	snop;
	(pc) =	sbr.rel .LBB2_4-.Ltmp5, $4  }
0xe8: {  	_ = 	snop  }
0xe9: {  	[tilespmem:s23], [sflag:$0x1] =	stream.indirect_vreg.gather [hbm4b:s1+s3], $0x80, v3, vm0, $0xb8;
	[tilespmem:$0x12000] =	vst v63  }
0xea: {  	_ = 	snop  }
0xeb: {  	[tilespmem:s24], [sflag:$0x1] =	stream.indirect_vreg.gather [hbm4b:s5+s3], $0x80, v3, vm0, $0xb8;
	[tilespmem:$0x12000] =	vst v63  }
.LBB2_6:
0xec: {  	_ =	sfence.sel $0x180000  }
0xed: {  	[bflag:$0x0] =	sbarrier.arrive $0xFFFF  }
0xee: {  	_ =	strace $0x90000047  }
0xef: {  	s0 =	stileid.u32;
	[bflag:$0x2] =	sbarrier.arrive $0xFFFF  }
0xf0: {  	p0 =	sne.s32 s0, $0x0;
	s0 =	rddreg [dreg:$0x2]  }
0xf1: {  	s0 =	sadd.s32 @!p0 $0x100000, s0  }
0xf2: {  	[sflag:s0] =	ssyncadd.tile.s32 @!p0 $0x1;
	_ =	shalt  }
.Lfunc_end2:
_tile_overlayer_lowered:
.L_overlay_start_2:
0xf3: {  	(tag) =	ssettag $0x2  }
0xf4: {  	s0 =	rddreg [dreg:$0x0];
	s2 =	stileid.u32  }
0xf5: {  	s1 =	rddreg [dreg:$0x1];
	p0 =	sne.s32 s2, $0x0  }
0xf6: {  	s3 =	rddreg [dreg:$0x2];
	[bflag:$0x3] =	sbarrier.arrive $0xFFFF;
	s2 =	simm.s32 @!p0 $0x1C05  }
0xf7: {  	[timem:s3], [sflag:s2] =	dma.local @!p0 [hbm:s0], s1  }
0xf8: {  	s0 =	simm.s32 @!p0 $0x5  }
0xf9: {  	_ =	swait.ge @!p0 [sflag:s0], s1  }
0xfa: {  	s1 =	ssub.s32 @!p0 $0x0, s1;
	[sflag:s0] =	ssyncset.done @!p0 $0x0  }
0xfb: {  	[sflag:s0] =	ssyncadd.s32 @!p0 s1  }
0xfc: {  	[bflag:$0x3] =	sbarrier.arrive $0xFFFF  }
0xfd: {  	_ =	shalt  }

</sc_bundles>
